<compile_context>
chip_gen: v7x
topology: tpu7x:2x2x1
jax: 0.10.2.dev20260603
libtpu: 0.0.44.dev20260713+nightly
codegen_flags: <defaults>
</compile_context>

<pallas_src>
import functools

import jax
import jax.numpy as jnp
from jax import lax
from jax.experimental import pallas as pl
from jax.experimental.pallas import tpu as pltpu
from jax.experimental.pallas import tpu_sc as plsc

N_AT = 4_000_000
N_TY = 100
N_SY = 16384

NC = 2
NS = 16
NW = NC * NS
LANES = 16

PER_TILE = N_AT // NW
N_CHUNK = 6
CH = 20832
VR = CH // LANES
TAIL = PER_TILE - N_CHUNK * CH


def _sc_partials(atom_types, system_ids, weights):
    mesh = plsc.VectorSubcoreMesh(core_axis_name="c", subcore_axis_name="s")

    @functools.partial(
        pl.kernel,
        out_type=jax.ShapeDtypeStruct((NW, N_SY), jnp.float32),
        mesh=mesh,
        compiler_params=pltpu.CompilerParams(needs_layout_passes=False),
        scratch_types=[
            pltpu.VMEM((N_SY,), jnp.float32),
            pltpu.VMEM((CH,), jnp.int32),
            pltpu.VMEM((CH,), jnp.int32),
            pltpu.VMEM((CH,), jnp.int32),
            pltpu.VMEM((CH,), jnp.int32),
            pltpu.VMEM((N_TY,), jnp.float32),
            pltpu.VMEM((16,), jnp.int32),
            pltpu.VMEM((16,), jnp.int32),
            pltpu.SemaphoreType.DMA,
            pltpu.SemaphoreType.DMA,
        ],
    )
    def k(at_hbm, sid_hbm, w_hbm, out_hbm,
          acc, atb0, atb1, sidb0, sidb1, wtab, att, sidt, sem0, sem1):
        c = lax.axis_index("c")
        s = lax.axis_index("s")
        wid = c * NS + s
        base = wid * PER_TILE
        sems = (sem0, sem1)
        atbs = (atb0, atb1)
        sidbs = (sidb0, sidb1)

        def start(ci, slot):
            off = base + ci * CH
            pltpu.async_copy(at_hbm.at[pl.ds(off, CH)], atbs[slot], sems[slot])
            pltpu.async_copy(sid_hbm.at[pl.ds(off, CH)], sidbs[slot], sems[slot])

        def wait(ci, slot):
            off = base + ci * CH
            pltpu.make_async_copy(at_hbm.at[pl.ds(off, CH)], atbs[slot], sems[slot]).wait()
            pltpu.make_async_copy(sid_hbm.at[pl.ds(off, CH)], sidbs[slot], sems[slot]).wait()

        start(0, 0)
        start(1, 1)
        pltpu.sync_copy(w_hbm.at[0], wtab)

        zero16 = jnp.zeros((LANES,), jnp.float32)

        def zbody(i, carry):
            acc[pl.ds(i * LANES, LANES)] = zero16
            return carry

        lax.fori_loop(0, N_SY // LANES, zbody, 0, unroll=8)

        lane = lax.iota(jnp.int32, LANES)
        lvec = lane * VR

        def process(slot):
            atc = atbs[slot]
            sidc = sidbs[slot]

            def ibody(i, carry):
                idx = lvec + i
                av = plsc.load_gather(atc, [idx])
                sv = plsc.load_gather(sidc, [idx])
                wv = plsc.load_gather(wtab, [av])
                plsc.addupdate_scatter(acc, [sv], wv)
                return carry

            lax.fori_loop(0, VR, ibody, 0, unroll=8)

        for ci in range(N_CHUNK):
            slot = ci % 2
            wait(ci, slot)
            process(slot)
            if ci + 2 < N_CHUNK:
                start(ci + 2, slot)

        toff = base + PER_TILE - 16
        pltpu.sync_copy(at_hbm.at[pl.ds(toff, 16)], att)
        pltpu.sync_copy(sid_hbm.at[pl.ds(toff, 16)], sidt)
        wvt = plsc.load_gather(wtab, [att[...]])
        plsc.addupdate_scatter(acc, [sidt[...]], wvt, mask=lane >= (16 - TAIL))

        pltpu.sync_copy(acc, out_hbm.at[wid])

    return k(atom_types, system_ids, weights)


def _tc_reduce(partials):
    def body(p_ref, o_ref):
        o_ref[...] = jnp.sum(p_ref[...], axis=0, keepdims=True)

    cols = 2048
    return pl.pallas_call(
        body,
        grid=(N_SY // cols,),
        in_specs=[pl.BlockSpec((NW, cols), lambda i: (0, i))],
        out_specs=pl.BlockSpec((1, cols), lambda i: (0, i)),
        out_shape=jax.ShapeDtypeStruct((1, N_SY), jnp.float32),
    )(partials)


@jax.jit
def kernel(atom_types, system_ids, weights):
    partials = _sc_partials(atom_types, system_ids, weights)
    per_system = _tc_reduce(partials)
    return per_system.reshape(-1, 1)

# --- scband reference (transcript-rebuilt; emitter-appended) ---
"""Pipeline reference for scband-composition-model-32839319945304 (READ-ONLY COPY).

The authoritative reference and input builder live on the scoring server;
editing this copy changes nothing except your own understanding.
"""

import jax, jax.numpy as jnp
import numpy as np

N_ATOMS = 4_000_000
N_TYPES = 100
N_SYSTEMS = 16384


def setup_inputs(seed: int = 0) -> dict:
    key = jax.random.key(seed)
    k1, k2, k3 = jax.random.split(key, 3)
    # per-atom atomic type index (flattened batch of systems)
    atom_types = jax.random.randint(k1, (N_ATOMS,), 0, N_TYPES, dtype=jnp.int32)
    # segment id mapping each atom to its system (sorted, as in concatenated systems)
    system_ids = jnp.sort(jax.random.randint(k2, (N_ATOMS,), 0, N_SYSTEMS, dtype=jnp.int32))
    # composition weights buffer: [n_targets=1, n_types]
    weights = jax.random.normal(k3, (1, N_TYPES), dtype=jnp.float32)
    return {"atom_types": atom_types, "system_ids": system_ids, "weights": weights}


def reference(atom_types, system_ids, weights):
    # CompositionModel.forward for a single energy target:
    # 1) per-atom energy = weight of that atom's type (embedding lookup into tiny table)
    w = weights[0]  # weights for the single 'energy' target
    per_atom = jnp.take(w, atom_types, axis=0)  # [N_ATOMS]
    # 2) target.per_atom == False: sum over the 'atom' samples per system
    #    (equivalent of sum_over_samples_block) -> per-structure energies
    per_system = jax.ops.segment_sum(per_atom, system_ids, num_segments=N_SYSTEMS)
    # block values shape: [n_systems, 1] (reshape(-1, 1) in original)
    return per_system.reshape(-1, 1)

if __name__ == "__main__":
    import jax
    _d = setup_inputs()
    print(jax.jit(kernel)(*tuple(_d.values())))

</pallas_src>

<mosaic_0001>
#map = affine_map<(d0, d1) -> (0)>
#map1 = affine_map<(d0, d1) -> (0, 0)>
module attributes {stable_mosaic.version = 14 : i64} {
  func.func @k(%arg0: i32, %arg1: i32, %arg2: memref<4000000xi32, #tpu.memory_space<hbm>>, %arg3: memref<4000000xi32, #tpu.memory_space<hbm>>, %arg4: memref<1x100xf32, #tpu.memory_space<hbm>>, %arg5: memref<32x16384xf32, #tpu.memory_space<hbm>>, %arg6: memref<16384xf32, #tpu.memory_space<vmem>>, %arg7: memref<20832xi32, #tpu.memory_space<vmem>>, %arg8: memref<20832xi32, #tpu.memory_space<vmem>>, %arg9: memref<20832xi32, #tpu.memory_space<vmem>>, %arg10: memref<20832xi32, #tpu.memory_space<vmem>>, %arg11: memref<100xf32, #tpu.memory_space<vmem>>, %arg12: memref<16xi32, #tpu.memory_space<vmem>>, %arg13: memref<16xi32, #tpu.memory_space<vmem>>, %arg14: memref<!tpu.dma_semaphore, #tpu.memory_space<semaphore_mem>>, %arg15: memref<!tpu.dma_semaphore, #tpu.memory_space<semaphore_mem>>) attributes {dimension_semantics = [#tpu.dimension_semantics<core_parallel>, #tpu.dimension_semantics<subcore_parallel>], iteration_bounds = array<i64: 2, 16>, scalar_prefetch = 0 : i64, scratch_operands = 10 : i64, tpu.core_type = #tpu.core_type<sc_vector_subcore>, window_params = [{transform_indices = #map}, {transform_indices = #map}, {transform_indices = #map1}, {transform_indices = #map1}]} {
    %mul3A = arith.constant 16 : i32
    %mul3A_0 = arith.muli %arg0, %mul3A : i32
    %add3A = arith.addi %mul3A_0, %arg1 : i32
    %mul3A_1 = arith.constant 125000 : i32
    %mul3A_2 = arith.muli %add3A, %mul3A_1 : i32
    %add3A_3 = arith.constant 0 : i32
    %add3A_4 = arith.addi %mul3A_2, %add3A_3 : i32
    %dma_start3A = tpu.memref_slice %arg2[%add3A_4] : memref<4000000xi32, #tpu.memory_space<hbm>> -> memref<20832xi32, #tpu.memory_space<hbm>>
    %dma_start3A_5 = tpu.memref_slice %arg2[%add3A_4] : memref<4000000xi32, #tpu.memory_space<hbm>> -> memref<20832xi32, #tpu.memory_space<hbm>>
    tpu.enqueue_dma source(%dma_start3A_5 : memref<20832xi32, #tpu.memory_space<hbm>>) target(%arg7 : memref<20832xi32, #tpu.memory_space<vmem>>) target_semaphore(%arg14 : memref<!tpu.dma_semaphore, #tpu.memory_space<semaphore_mem>>)
    %dma_start3A_6 = tpu.memref_slice %arg3[%add3A_4] : memref<4000000xi32, #tpu.memory_space<hbm>> -> memref<20832xi32, #tpu.memory_space<hbm>>
    %dma_start3A_7 = tpu.memref_slice %arg3[%add3A_4] : memref<4000000xi32, #tpu.memory_space<hbm>> -> memref<20832xi32, #tpu.memory_space<hbm>>
    tpu.enqueue_dma source(%dma_start3A_7 : memref<20832xi32, #tpu.memory_space<hbm>>) target(%arg9 : memref<20832xi32, #tpu.memory_space<vmem>>) target_semaphore(%arg14 : memref<!tpu.dma_semaphore, #tpu.memory_space<semaphore_mem>>)
    %add3A_8 = arith.constant 20832 : i32
    %add3A_9 = arith.addi %mul3A_2, %add3A_8 : i32
    %dma_start3A_10 = tpu.memref_slice %arg2[%add3A_9] : memref<4000000xi32, #tpu.memory_space<hbm>> -> memref<20832xi32, #tpu.memory_space<hbm>>
    %dma_start3A_11 = tpu.memref_slice %arg2[%add3A_9] : memref<4000000xi32, #tpu.memory_space<hbm>> -> memref<20832xi32, #tpu.memory_space<hbm>>
    tpu.enqueue_dma source(%dma_start3A_11 : memref<20832xi32, #tpu.memory_space<hbm>>) target(%arg8 : memref<20832xi32, #tpu.memory_space<vmem>>) target_semaphore(%arg15 : memref<!tpu.dma_semaphore, #tpu.memory_space<semaphore_mem>>)
    %dma_start3A_12 = tpu.memref_slice %arg3[%add3A_9] : memref<4000000xi32, #tpu.memory_space<hbm>> -> memref<20832xi32, #tpu.memory_space<hbm>>
    %dma_start3A_13 = tpu.memref_slice %arg3[%add3A_9] : memref<4000000xi32, #tpu.memory_space<hbm>> -> memref<20832xi32, #tpu.memory_space<hbm>>
    tpu.enqueue_dma source(%dma_start3A_13 : memref<20832xi32, #tpu.memory_space<hbm>>) target(%arg10 : memref<20832xi32, #tpu.memory_space<vmem>>) target_semaphore(%arg15 : memref<!tpu.dma_semaphore, #tpu.memory_space<semaphore_mem>>)
    %run_scoped3A = arith.constant 0 : i32
    "tpu.region"() ({
      %run_scoped3A_378 = tpu.sem_alloc : memref<!tpu.dma_semaphore, #tpu.memory_space<semaphore_mem>>
      %dma_start3A_379 = arith.constant 0 : i32
      %dma_start3A_380 = tpu.memref_slice %arg4[%run_scoped3A, %dma_start3A_379] : memref<1x100xf32, #tpu.memory_space<hbm>> -> memref<1x100xf32, #tpu.memory_space<hbm>>
      %dma_start3A_381 = tpu.memref_squeeze %dma_start3A_380 : memref<1x100xf32, #tpu.memory_space<hbm>> -> memref<100xf32, #tpu.memory_space<hbm>>
      %dma_start3A_382 = arith.constant 0 : i32
      %dma_start3A_383 = tpu.memref_slice %arg4[%run_scoped3A, %dma_start3A_382] : memref<1x100xf32, #tpu.memory_space<hbm>> -> memref<1x100xf32, #tpu.memory_space<hbm>>
      %dma_start3A_384 = tpu.memref_squeeze %dma_start3A_383 : memref<1x100xf32, #tpu.memory_space<hbm>> -> memref<100xf32, #tpu.memory_space<hbm>>
      tpu.enqueue_dma source(%dma_start3A_384 : memref<100xf32, #tpu.memory_space<hbm>>) target(%arg11 : memref<100xf32, #tpu.memory_space<vmem>>) target_semaphore(%run_scoped3A_378 : memref<!tpu.dma_semaphore, #tpu.memory_space<semaphore_mem>>)
      %dma_wait3A_385 = arith.constant 0 : i32
      %dma_wait3A_386 = tpu.memref_slice %arg4[%run_scoped3A, %dma_wait3A_385] : memref<1x100xf32, #tpu.memory_space<hbm>> -> memref<1x100xf32, #tpu.memory_space<hbm>>
      %dma_wait3A_387 = tpu.memref_squeeze %dma_wait3A_386 : memref<1x100xf32, #tpu.memory_space<hbm>> -> memref<100xf32, #tpu.memory_space<hbm>>
      %dma_wait3A_388 = arith.constant 0 : i32
      %dma_wait3A_389 = tpu.memref_slice %arg4[%run_scoped3A, %dma_wait3A_388] : memref<1x100xf32, #tpu.memory_space<hbm>> -> memref<1x100xf32, #tpu.memory_space<hbm>>
      %dma_wait3A_390 = tpu.memref_squeeze %dma_wait3A_389 : memref<1x100xf32, #tpu.memory_space<hbm>> -> memref<100xf32, #tpu.memory_space<hbm>>
      tpu.wait_dma2 semaphore(%run_scoped3A_378 : memref<!tpu.dma_semaphore, #tpu.memory_space<semaphore_mem>>) src(%dma_wait3A_390 : memref<100xf32, #tpu.memory_space<hbm>>) dst(%arg11 : memref<100xf32, #tpu.memory_space<vmem>>)
      tpu.yield
    }) : () -> ()
    %broadcast_in_dim3A = arith.constant 0.000000e+00 : f32
    %broadcast_in_dim3A_14 = vector.broadcast %broadcast_in_dim3A : f32 to vector<16xf32>
    %scan3A = arith.constant 0 : i32
    %scan3A_15 = arith.constant 0 : i32
    %scan3A_16 = arith.constant 1024 : i32
    %scan3A_17 = arith.addi %scan3A_15, %scan3A_16 : i32
    %scan3A_18 = arith.constant 8 : i32
    scf.for %scan3A_378 = %scan3A_15 to %scan3A_17 step %scan3A_18  : i32 {
      %mul3A_379 = arith.constant 16 : i32
      %mul3A_380 = arith.muli %scan3A_378, %mul3A_379 : i32
      %swap3A = arith.index_cast %mul3A_380 : i32 to index
      %swap3A_381 = tpu.vector_load %arg6[%swap3A] {strides = array<i32>} : memref<16384xf32, #tpu.memory_space<vmem>>, vector<16xf32>,
      tpu.vector_store %arg6[%swap3A], %broadcast_in_dim3A_14 {strides = array<i32>} : memref<16384xf32, #tpu.memory_space<vmem>>, vector<16xf32>,
      %scan3A_382 = arith.constant 1 : i32
      %scan3A_383 = arith.addi %scan3A_378, %scan3A_382 : i32
      %mul3A_384 = arith.constant 16 : i32
      %mul3A_385 = arith.muli %scan3A_383, %mul3A_384 : i32
      %swap3A_386 = arith.index_cast %mul3A_385 : i32 to index
      %swap3A_387 = tpu.vector_load %arg6[%swap3A_386] {strides = array<i32>} : memref<16384xf32, #tpu.memory_space<vmem>>, vector<16xf32>,
      tpu.vector_store %arg6[%swap3A_386], %broadcast_in_dim3A_14 {strides = array<i32>} : memref<16384xf32, #tpu.memory_space<vmem>>, vector<16xf32>,
      %scan3A_388 = arith.constant 2 : i32
      %scan3A_389 = arith.addi %scan3A_378, %scan3A_388 : i32
      %mul3A_390 = arith.constant 16 : i32
      %mul3A_391 = arith.muli %scan3A_389, %mul3A_390 : i32
      %swap3A_392 = arith.index_cast %mul3A_391 : i32 to index
      %swap3A_393 = tpu.vector_load %arg6[%swap3A_392] {strides = array<i32>} : memref<16384xf32, #tpu.memory_space<vmem>>, vector<16xf32>,
      tpu.vector_store %arg6[%swap3A_392], %broadcast_in_dim3A_14 {strides = array<i32>} : memref<16384xf32, #tpu.memory_space<vmem>>, vector<16xf32>,
      %scan3A_394 = arith.constant 3 : i32
      %scan3A_395 = arith.addi %scan3A_378, %scan3A_394 : i32
      %mul3A_396 = arith.constant 16 : i32
      %mul3A_397 = arith.muli %scan3A_395, %mul3A_396 : i32
      %swap3A_398 = arith.index_cast %mul3A_397 : i32 to index
      %swap3A_399 = tpu.vector_load %arg6[%swap3A_398] {strides = array<i32>} : memref<16384xf32, #tpu.memory_space<vmem>>, vector<16xf32>,
      tpu.vector_store %arg6[%swap3A_398], %broadcast_in_dim3A_14 {strides = array<i32>} : memref<16384xf32, #tpu.memory_space<vmem>>, vector<16xf32>,
      %scan3A_400 = arith.constant 4 : i32
      %scan3A_401 = arith.addi %scan3A_378, %scan3A_400 : i32
      %mul3A_402 = arith.constant 16 : i32
      %mul3A_403 = arith.muli %scan3A_401, %mul3A_402 : i32
      %swap3A_404 = arith.index_cast %mul3A_403 : i32 to index
      %swap3A_405 = tpu.vector_load %arg6[%swap3A_404] {strides = array<i32>} : memref<16384xf32, #tpu.memory_space<vmem>>, vector<16xf32>,
      tpu.vector_store %arg6[%swap3A_404], %broadcast_in_dim3A_14 {strides = array<i32>} : memref<16384xf32, #tpu.memory_space<vmem>>, vector<16xf32>,
      %scan3A_406 = arith.constant 5 : i32
      %scan3A_407 = arith.addi %scan3A_378, %scan3A_406 : i32
      %mul3A_408 = arith.constant 16 : i32
      %mul3A_409 = arith.muli %scan3A_407, %mul3A_408 : i32
      %swap3A_410 = arith.index_cast %mul3A_409 : i32 to index
      %swap3A_411 = tpu.vector_load %arg6[%swap3A_410] {strides = array<i32>} : memref<16384xf32, #tpu.memory_space<vmem>>, vector<16xf32>,
      tpu.vector_store %arg6[%swap3A_410], %broadcast_in_dim3A_14 {strides = array<i32>} : memref<16384xf32, #tpu.memory_space<vmem>>, vector<16xf32>,
      %scan3A_412 = arith.constant 6 : i32
      %scan3A_413 = arith.addi %scan3A_378, %scan3A_412 : i32
      %mul3A_414 = arith.constant 16 : i32
      %mul3A_415 = arith.muli %scan3A_413, %mul3A_414 : i32
      %swap3A_416 = arith.index_cast %mul3A_415 : i32 to index
      %swap3A_417 = tpu.vector_load %arg6[%swap3A_416] {strides = array<i32>} : memref<16384xf32, #tpu.memory_space<vmem>>, vector<16xf32>,
      tpu.vector_store %arg6[%swap3A_416], %broadcast_in_dim3A_14 {strides = array<i32>} : memref<16384xf32, #tpu.memory_space<vmem>>, vector<16xf32>,
      %scan3A_418 = arith.constant 7 : i32
      %scan3A_419 = arith.addi %scan3A_378, %scan3A_418 : i32
      %mul3A_420 = arith.constant 16 : i32
      %mul3A_421 = arith.muli %scan3A_419, %mul3A_420 : i32
      %swap3A_422 = arith.index_cast %mul3A_421 : i32 to index
      %swap3A_423 = tpu.vector_load %arg6[%swap3A_422] {strides = array<i32>} : memref<16384xf32, #tpu.memory_space<vmem>>, vector<16xf32>,
      tpu.vector_store %arg6[%swap3A_422], %broadcast_in_dim3A_14 {strides = array<i32>} : memref<16384xf32, #tpu.memory_space<vmem>>, vector<16xf32>,
    }
    %scan3A_19 = arith.constant 1024 : i32
    %iota3A = tpu.iota {dimensions = array<i32: 0>} : vector<16xi32>
    %mul3A_20 = arith.constant 1302 : i32
    %mul3A_21 = vector.broadcast %mul3A_20 : i32 to vector<16xi32>
    %mul3A_22 = arith.muli %iota3A, %mul3A_21 : vector<16xi32>
    %add3A_23 = arith.constant 0 : i32
    %add3A_24 = arith.addi %mul3A_2, %add3A_23 : i32
    %dma_wait3A = tpu.memref_slice %arg2[%add3A_24] : memref<4000000xi32, #tpu.memory_space<hbm>> -> memref<20832xi32, #tpu.memory_space<hbm>>
    %dma_wait3A_25 = tpu.memref_slice %arg2[%add3A_24] : memref<4000000xi32, #tpu.memory_space<hbm>> -> memref<20832xi32, #tpu.memory_space<hbm>>
    tpu.wait_dma2 semaphore(%arg14 : memref<!tpu.dma_semaphore, #tpu.memory_space<semaphore_mem>>) src(%dma_wait3A_25 : memref<20832xi32, #tpu.memory_space<hbm>>) dst(%arg7 : memref<20832xi32, #tpu.memory_space<vmem>>)
    %dma_wait3A_26 = tpu.memref_slice %arg3[%add3A_24] : memref<4000000xi32, #tpu.memory_space<hbm>> -> memref<20832xi32, #tpu.memory_space<hbm>>
    %dma_wait3A_27 = tpu.memref_slice %arg3[%add3A_24] : memref<4000000xi32, #tpu.memory_space<hbm>> -> memref<20832xi32, #tpu.memory_space<hbm>>
    tpu.wait_dma2 semaphore(%arg14 : memref<!tpu.dma_semaphore, #tpu.memory_space<semaphore_mem>>) src(%dma_wait3A_27 : memref<20832xi32, #tpu.memory_space<hbm>>) dst(%arg9 : memref<20832xi32, #tpu.memory_space<vmem>>)
    %scan3A_28 = arith.constant 0 : i32
    %scan3A_29 = arith.constant 0 : i32
    %scan3A_30 = arith.constant 1296 : i32
    %scan3A_31 = arith.addi %scan3A_29, %scan3A_30 : i32
    %scan3A_32 = arith.constant 8 : i32
    scf.for %scan3A_378 = %scan3A_29 to %scan3A_31 step %scan3A_32  : i32 {
      %add3A_379 = vector.broadcast %scan3A_378 : i32 to vector<16xi32>
      %add3A_380 = arith.addi %mul3A_22, %add3A_379 : vector<16xi32>
      %gather3A_381 = tpu.vector_load_idx %arg7[%add3A_380] : memref<20832xi32, #tpu.memory_space<vmem>>[vector<16xi32>], vector<16xi32>,
      %gather3A_382 = tpu.vector_load_idx %arg9[%add3A_380] : memref<20832xi32, #tpu.memory_space<vmem>>[vector<16xi32>], vector<16xi32>,
      %gather3A_383 = tpu.vector_load_idx %arg11[%gather3A_381] : memref<100xf32, #tpu.memory_space<vmem>>[vector<16xi32>], vector<16xf32>,
      tpu.vector_store_idx %arg6[%gather3A_382], %gather3A_383 {add = true} : memref<16384xf32, #tpu.memory_space<vmem>>[vector<16xi32>], vector<16xf32>,
      %scan3A_384 = arith.constant 1 : i32
      %scan3A_385 = arith.addi %scan3A_378, %scan3A_384 : i32
      %add3A_386 = vector.broadcast %scan3A_385 : i32 to vector<16xi32>
      %add3A_387 = arith.addi %mul3A_22, %add3A_386 : vector<16xi32>
      %gather3A_388 = tpu.vector_load_idx %arg7[%add3A_387] : memref<20832xi32, #tpu.memory_space<vmem>>[vector<16xi32>], vector<16xi32>,
      %gather3A_389 = tpu.vector_load_idx %arg9[%add3A_387] : memref<20832xi32, #tpu.memory_space<vmem>>[vector<16xi32>], vector<16xi32>,
      %gather3A_390 = tpu.vector_load_idx %arg11[%gather3A_388] : memref<100xf32, #tpu.memory_space<vmem>>[vector<16xi32>], vector<16xf32>,
      tpu.vector_store_idx %arg6[%gather3A_389], %gather3A_390 {add = true} : memref<16384xf32, #tpu.memory_space<vmem>>[vector<16xi32>], vector<16xf32>,
      %scan3A_391 = arith.constant 2 : i32
      %scan3A_392 = arith.addi %scan3A_378, %scan3A_391 : i32
      %add3A_393 = vector.broadcast %scan3A_392 : i32 to vector<16xi32>
      %add3A_394 = arith.addi %mul3A_22, %add3A_393 : vector<16xi32>
      %gather3A_395 = tpu.vector_load_idx %arg7[%add3A_394] : memref<20832xi32, #tpu.memory_space<vmem>>[vector<16xi32>], vector<16xi32>,
      %gather3A_396 = tpu.vector_load_idx %arg9[%add3A_394] : memref<20832xi32, #tpu.memory_space<vmem>>[vector<16xi32>], vector<16xi32>,
      %gather3A_397 = tpu.vector_load_idx %arg11[%gather3A_395] : memref<100xf32, #tpu.memory_space<vmem>>[vector<16xi32>], vector<16xf32>,
      tpu.vector_store_idx %arg6[%gather3A_396], %gather3A_397 {add = true} : memref<16384xf32, #tpu.memory_space<vmem>>[vector<16xi32>], vector<16xf32>,
      %scan3A_398 = arith.constant 3 : i32
      %scan3A_399 = arith.addi %scan3A_378, %scan3A_398 : i32
      %add3A_400 = vector.broadcast %scan3A_399 : i32 to vector<16xi32>
      %add3A_401 = arith.addi %mul3A_22, %add3A_400 : vector<16xi32>
      %gather3A_402 = tpu.vector_load_idx %arg7[%add3A_401] : memref<20832xi32, #tpu.memory_space<vmem>>[vector<16xi32>], vector<16xi32>,
      %gather3A_403 = tpu.vector_load_idx %arg9[%add3A_401] : memref<20832xi32, #tpu.memory_space<vmem>>[vector<16xi32>], vector<16xi32>,
      %gather3A_404 = tpu.vector_load_idx %arg11[%gather3A_402] : memref<100xf32, #tpu.memory_space<vmem>>[vector<16xi32>], vector<16xf32>,
      tpu.vector_store_idx %arg6[%gather3A_403], %gather3A_404 {add = true} : memref<16384xf32, #tpu.memory_space<vmem>>[vector<16xi32>], vector<16xf32>,
      %scan3A_405 = arith.constant 4 : i32
      %scan3A_406 = arith.addi %scan3A_378, %scan3A_405 : i32
      %add3A_407 = vector.broadcast %scan3A_406 : i32 to vector<16xi32>
      %add3A_408 = arith.addi %mul3A_22, %add3A_407 : vector<16xi32>
      %gather3A_409 = tpu.vector_load_idx %arg7[%add3A_408] : memref<20832xi32, #tpu.memory_space<vmem>>[vector<16xi32>], vector<16xi32>,
      %gather3A_410 = tpu.vector_load_idx %arg9[%add3A_408] : memref<20832xi32, #tpu.memory_space<vmem>>[vector<16xi32>], vector<16xi32>,
      %gather3A_411 = tpu.vector_load_idx %arg11[%gather3A_409] : memref<100xf32, #tpu.memory_space<vmem>>[vector<16xi32>], vector<16xf32>,
      tpu.vector_store_idx %arg6[%gather3A_410], %gather3A_411 {add = true} : memref<16384xf32, #tpu.memory_space<vmem>>[vector<16xi32>], vector<16xf32>,
      %scan3A_412 = arith.constant 5 : i32
      %scan3A_413 = arith.addi %scan3A_378, %scan3A_412 : i32
      %add3A_414 = vector.broadcast %scan3A_413 : i32 to vector<16xi32>
      %add3A_415 = arith.addi %mul3A_22, %add3A_414 : vector<16xi32>
      %gather3A_416 = tpu.vector_load_idx %arg7[%add3A_415] : memref<20832xi32, #tpu.memory_space<vmem>>[vector<16xi32>], vector<16xi32>,
      %gather3A_417 = tpu.vector_load_idx %arg9[%add3A_415] : memref<20832xi32, #tpu.memory_space<vmem>>[vector<16xi32>], vector<16xi32>,
      %gather3A_418 = tpu.vector_load_idx %arg11[%gather3A_416] : memref<100xf32, #tpu.memory_space<vmem>>[vector<16xi32>], vector<16xf32>,
      tpu.vector_store_idx %arg6[%gather3A_417], %gather3A_418 {add = true} : memref<16384xf32, #tpu.memory_space<vmem>>[vector<16xi32>], vector<16xf32>,
      %scan3A_419 = arith.constant 6 : i32
      %scan3A_420 = arith.addi %scan3A_378, %scan3A_419 : i32
      %add3A_421 = vector.broadcast %scan3A_420 : i32 to vector<16xi32>
      %add3A_422 = arith.addi %mul3A_22, %add3A_421 : vector<16xi32>
      %gather3A_423 = tpu.vector_load_idx %arg7[%add3A_422] : memref<20832xi32, #tpu.memory_space<vmem>>[vector<16xi32>], vector<16xi32>,
      %gather3A_424 = tpu.vector_load_idx %arg9[%add3A_422] : memref<20832xi32, #tpu.memory_space<vmem>>[vector<16xi32>], vector<16xi32>,
      %gather3A_425 = tpu.vector_load_idx %arg11[%gather3A_423] : memref<100xf32, #tpu.memory_space<vmem>>[vector<16xi32>], vector<16xf32>,
      tpu.vector_store_idx %arg6[%gather3A_424], %gather3A_425 {add = true} : memref<16384xf32, #tpu.memory_space<vmem>>[vector<16xi32>], vector<16xf32>,
      %scan3A_426 = arith.constant 7 : i32
      %scan3A_427 = arith.addi %scan3A_378, %scan3A_426 : i32
      %add3A_428 = vector.broadcast %scan3A_427 : i32 to vector<16xi32>
      %add3A_429 = arith.addi %mul3A_22, %add3A_428 : vector<16xi32>
      %gather3A_430 = tpu.vector_load_idx %arg7[%add3A_429] : memref<20832xi32, #tpu.memory_space<vmem>>[vector<16xi32>], vector<16xi32>,
      %gather3A_431 = tpu.vector_load_idx %arg9[%add3A_429] : memref<20832xi32, #tpu.memory_space<vmem>>[vector<16xi32>], vector<16xi32>,
      %gather3A_432 = tpu.vector_load_idx %arg11[%gather3A_430] : memref<100xf32, #tpu.memory_space<vmem>>[vector<16xi32>], vector<16xf32>,
      tpu.vector_store_idx %arg6[%gather3A_431], %gather3A_432 {add = true} : memref<16384xf32, #tpu.memory_space<vmem>>[vector<16xi32>], vector<16xf32>,
    }
    %scan3A_33 = arith.constant 1296 : i32
    %scan3A_34 = arith.addi %scan3A_29, %scan3A_33 : i32
    %add3A_35 = vector.broadcast %scan3A_34 : i32 to vector<16xi32>
    %add3A_36 = arith.addi %mul3A_22, %add3A_35 : vector<16xi32>
    %gather3A = tpu.vector_load_idx %arg7[%add3A_36] : memref<20832xi32, #tpu.memory_space<vmem>>[vector<16xi32>], vector<16xi32>,
    %gather3A_37 = tpu.vector_load_idx %arg9[%add3A_36] : memref<20832xi32, #tpu.memory_space<vmem>>[vector<16xi32>], vector<16xi32>,
    %gather3A_38 = tpu.vector_load_idx %arg11[%gather3A] : memref<100xf32, #tpu.memory_space<vmem>>[vector<16xi32>], vector<16xf32>,
    tpu.vector_store_idx %arg6[%gather3A_37], %gather3A_38 {add = true} : memref<16384xf32, #tpu.memory_space<vmem>>[vector<16xi32>], vector<16xf32>,
    %scan3A_39 = arith.constant 1297 : i32
    %scan3A_40 = arith.addi %scan3A_29, %scan3A_39 : i32
    %add3A_41 = vector.broadcast %scan3A_40 : i32 to vector<16xi32>
    %add3A_42 = arith.addi %mul3A_22, %add3A_41 : vector<16xi32>
    %gather3A_43 = tpu.vector_load_idx %arg7[%add3A_42] : memref<20832xi32, #tpu.memory_space<vmem>>[vector<16xi32>], vector<16xi32>,
    %gather3A_44 = tpu.vector_load_idx %arg9[%add3A_42] : memref<20832xi32, #tpu.memory_space<vmem>>[vector<16xi32>], vector<16xi32>,
    %gather3A_45 = tpu.vector_load_idx %arg11[%gather3A_43] : memref<100xf32, #tpu.memory_space<vmem>>[vector<16xi32>], vector<16xf32>,
    tpu.vector_store_idx %arg6[%gather3A_44], %gather3A_45 {add = true} : memref<16384xf32, #tpu.memory_space<vmem>>[vector<16xi32>], vector<16xf32>,
    %scan3A_46 = arith.constant 1298 : i32
    %scan3A_47 = arith.addi %scan3A_29, %scan3A_46 : i32
    %add3A_48 = vector.broadcast %scan3A_47 : i32 to vector<16xi32>
    %add3A_49 = arith.addi %mul3A_22, %add3A_48 : vector<16xi32>
    %gather3A_50 = tpu.vector_load_idx %arg7[%add3A_49] : memref<20832xi32, #tpu.memory_space<vmem>>[vector<16xi32>], vector<16xi32>,
    %gather3A_51 = tpu.vector_load_idx %arg9[%add3A_49] : memref<20832xi32, #tpu.memory_space<vmem>>[vector<16xi32>], vector<16xi32>,
    %gather3A_52 = tpu.vector_load_idx %arg11[%gather3A_50] : memref<100xf32, #tpu.memory_space<vmem>>[vector<16xi32>], vector<16xf32>,
    tpu.vector_store_idx %arg6[%gather3A_51], %gather3A_52 {add = true} : memref<16384xf32, #tpu.memory_space<vmem>>[vector<16xi32>], vector<16xf32>,
    %scan3A_53 = arith.constant 1299 : i32
    %scan3A_54 = arith.addi %scan3A_29, %scan3A_53 : i32
    %add3A_55 = vector.broadcast %scan3A_54 : i32 to vector<16xi32>
    %add3A_56 = arith.addi %mul3A_22, %add3A_55 : vector<16xi32>
    %gather3A_57 = tpu.vector_load_idx %arg7[%add3A_56] : memref<20832xi32, #tpu.memory_space<vmem>>[vector<16xi32>], vector<16xi32>,
    %gather3A_58 = tpu.vector_load_idx %arg9[%add3A_56] : memref<20832xi32, #tpu.memory_space<vmem>>[vector<16xi32>], vector<16xi32>,
    %gather3A_59 = tpu.vector_load_idx %arg11[%gather3A_57] : memref<100xf32, #tpu.memory_space<vmem>>[vector<16xi32>], vector<16xf32>,
    tpu.vector_store_idx %arg6[%gather3A_58], %gather3A_59 {add = true} : memref<16384xf32, #tpu.memory_space<vmem>>[vector<16xi32>], vector<16xf32>,
    %scan3A_60 = arith.constant 1300 : i32
    %scan3A_61 = arith.addi %scan3A_29, %scan3A_60 : i32
    %add3A_62 = vector.broadcast %scan3A_61 : i32 to vector<16xi32>
    %add3A_63 = arith.addi %mul3A_22, %add3A_62 : vector<16xi32>
    %gather3A_64 = tpu.vector_load_idx %arg7[%add3A_63] : memref<20832xi32, #tpu.memory_space<vmem>>[vector<16xi32>], vector<16xi32>,
    %gather3A_65 = tpu.vector_load_idx %arg9[%add3A_63] : memref<20832xi32, #tpu.memory_space<vmem>>[vector<16xi32>], vector<16xi32>,
    %gather3A_66 = tpu.vector_load_idx %arg11[%gather3A_64] : memref<100xf32, #tpu.memory_space<vmem>>[vector<16xi32>], vector<16xf32>,
    tpu.vector_store_idx %arg6[%gather3A_65], %gather3A_66 {add = true} : memref<16384xf32, #tpu.memory_space<vmem>>[vector<16xi32>], vector<16xf32>,
    %scan3A_67 = arith.constant 1301 : i32
    %scan3A_68 = arith.addi %scan3A_29, %scan3A_67 : i32
    %add3A_69 = vector.broadcast %scan3A_68 : i32 to vector<16xi32>
    %add3A_70 = arith.addi %mul3A_22, %add3A_69 : vector<16xi32>
    %gather3A_71 = tpu.vector_load_idx %arg7[%add3A_70] : memref<20832xi32, #tpu.memory_space<vmem>>[vector<16xi32>], vector<16xi32>,
    %gather3A_72 = tpu.vector_load_idx %arg9[%add3A_70] : memref<20832xi32, #tpu.memory_space<vmem>>[vector<16xi32>], vector<16xi32>,
    %gather3A_73 = tpu.vector_load_idx %arg11[%gather3A_71] : memref<100xf32, #tpu.memory_space<vmem>>[vector<16xi32>], vector<16xf32>,
    tpu.vector_store_idx %arg6[%gather3A_72], %gather3A_73 {add = true} : memref<16384xf32, #tpu.memory_space<vmem>>[vector<16xi32>], vector<16xf32>,
    %scan3A_74 = arith.constant 1302 : i32
    %add3A_75 = arith.constant 41664 : i32
    %add3A_76 = arith.addi %mul3A_2, %add3A_75 : i32
    %dma_start3A_77 = tpu.memref_slice %arg2[%add3A_76] : memref<4000000xi32, #tpu.memory_space<hbm>> -> memref<20832xi32, #tpu.memory_space<hbm>>
    %dma_start3A_78 = tpu.memref_slice %arg2[%add3A_76] : memref<4000000xi32, #tpu.memory_space<hbm>> -> memref<20832xi32, #tpu.memory_space<hbm>>
    tpu.enqueue_dma source(%dma_start3A_78 : memref<20832xi32, #tpu.memory_space<hbm>>) target(%arg7 : memref<20832xi32, #tpu.memory_space<vmem>>) target_semaphore(%arg14 : memref<!tpu.dma_semaphore, #tpu.memory_space<semaphore_mem>>)
    %dma_start3A_79 = tpu.memref_slice %arg3[%add3A_76] : memref<4000000xi32, #tpu.memory_space<hbm>> -> memref<20832xi32, #tpu.memory_space<hbm>>
    %dma_start3A_80 = tpu.memref_slice %arg3[%add3A_76] : memref<4000000xi32, #tpu.memory_space<hbm>> -> memref<20832xi32, #tpu.memory_space<hbm>>
    tpu.enqueue_dma source(%dma_start3A_80 : memref<20832xi32, #tpu.memory_space<hbm>>) target(%arg9 : memref<20832xi32, #tpu.memory_space<vmem>>) target_semaphore(%arg14 : memref<!tpu.dma_semaphore, #tpu.memory_space<semaphore_mem>>)
    %add3A_81 = arith.constant 20832 : i32
    %add3A_82 = arith.addi %mul3A_2, %add3A_81 : i32
    %dma_wait3A_83 = tpu.memref_slice %arg2[%add3A_82] : memref<4000000xi32, #tpu.memory_space<hbm>> -> memref<20832xi32, #tpu.memory_space<hbm>>
    %dma_wait3A_84 = tpu.memref_slice %arg2[%add3A_82] : memref<4000000xi32, #tpu.memory_space<hbm>> -> memref<20832xi32, #tpu.memory_space<hbm>>
    tpu.wait_dma2 semaphore(%arg15 : memref<!tpu.dma_semaphore, #tpu.memory_space<semaphore_mem>>) src(%dma_wait3A_84 : memref<20832xi32, #tpu.memory_space<hbm>>) dst(%arg8 : memref<20832xi32, #tpu.memory_space<vmem>>)
    %dma_wait3A_85 = tpu.memref_slice %arg3[%add3A_82] : memref<4000000xi32, #tpu.memory_space<hbm>> -> memref<20832xi32, #tpu.memory_space<hbm>>
    %dma_wait3A_86 = tpu.memref_slice %arg3[%add3A_82] : memref<4000000xi32, #tpu.memory_space<hbm>> -> memref<20832xi32, #tpu.memory_space<hbm>>
    tpu.wait_dma2 semaphore(%arg15 : memref<!tpu.dma_semaphore, #tpu.memory_space<semaphore_mem>>) src(%dma_wait3A_86 : memref<20832xi32, #tpu.memory_space<hbm>>) dst(%arg10 : memref<20832xi32, #tpu.memory_space<vmem>>)
    %scan3A_87 = arith.constant 0 : i32
    %scan3A_88 = arith.constant 0 : i32
    %scan3A_89 = arith.constant 1296 : i32
    %scan3A_90 = arith.addi %scan3A_88, %scan3A_89 : i32
    %scan3A_91 = arith.constant 8 : i32
    scf.for %scan3A_378 = %scan3A_88 to %scan3A_90 step %scan3A_91  : i32 {
      %add3A_379 = vector.broadcast %scan3A_378 : i32 to vector<16xi32>
      %add3A_380 = arith.addi %mul3A_22, %add3A_379 : vector<16xi32>
      %gather3A_381 = tpu.vector_load_idx %arg8[%add3A_380] : memref<20832xi32, #tpu.memory_space<vmem>>[vector<16xi32>], vector<16xi32>,
      %gather3A_382 = tpu.vector_load_idx %arg10[%add3A_380] : memref<20832xi32, #tpu.memory_space<vmem>>[vector<16xi32>], vector<16xi32>,
      %gather3A_383 = tpu.vector_load_idx %arg11[%gather3A_381] : memref<100xf32, #tpu.memory_space<vmem>>[vector<16xi32>], vector<16xf32>,
      tpu.vector_store_idx %arg6[%gather3A_382], %gather3A_383 {add = true} : memref<16384xf32, #tpu.memory_space<vmem>>[vector<16xi32>], vector<16xf32>,
      %scan3A_384 = arith.constant 1 : i32
      %scan3A_385 = arith.addi %scan3A_378, %scan3A_384 : i32
      %add3A_386 = vector.broadcast %scan3A_385 : i32 to vector<16xi32>
      %add3A_387 = arith.addi %mul3A_22, %add3A_386 : vector<16xi32>
      %gather3A_388 = tpu.vector_load_idx %arg8[%add3A_387] : memref<20832xi32, #tpu.memory_space<vmem>>[vector<16xi32>], vector<16xi32>,
      %gather3A_389 = tpu.vector_load_idx %arg10[%add3A_387] : memref<20832xi32, #tpu.memory_space<vmem>>[vector<16xi32>], vector<16xi32>,
      %gather3A_390 = tpu.vector_load_idx %arg11[%gather3A_388] : memref<100xf32, #tpu.memory_space<vmem>>[vector<16xi32>], vector<16xf32>,
      tpu.vector_store_idx %arg6[%gather3A_389], %gather3A_390 {add = true} : memref<16384xf32, #tpu.memory_space<vmem>>[vector<16xi32>], vector<16xf32>,
      %scan3A_391 = arith.constant 2 : i32
      %scan3A_392 = arith.addi %scan3A_378, %scan3A_391 : i32
      %add3A_393 = vector.broadcast %scan3A_392 : i32 to vector<16xi32>
      %add3A_394 = arith.addi %mul3A_22, %add3A_393 : vector<16xi32>
      %gather3A_395 = tpu.vector_load_idx %arg8[%add3A_394] : memref<20832xi32, #tpu.memory_space<vmem>>[vector<16xi32>], vector<16xi32>,
      %gather3A_396 = tpu.vector_load_idx %arg10[%add3A_394] : memref<20832xi32, #tpu.memory_space<vmem>>[vector<16xi32>], vector<16xi32>,
      %gather3A_397 = tpu.vector_load_idx %arg11[%gather3A_395] : memref<100xf32, #tpu.memory_space<vmem>>[vector<16xi32>], vector<16xf32>,
      tpu.vector_store_idx %arg6[%gather3A_396], %gather3A_397 {add = true} : memref<16384xf32, #tpu.memory_space<vmem>>[vector<16xi32>], vector<16xf32>,
      %scan3A_398 = arith.constant 3 : i32
      %scan3A_399 = arith.addi %scan3A_378, %scan3A_398 : i32
      %add3A_400 = vector.broadcast %scan3A_399 : i32 to vector<16xi32>
      %add3A_401 = arith.addi %mul3A_22, %add3A_400 : vector<16xi32>
      %gather3A_402 = tpu.vector_load_idx %arg8[%add3A_401] : memref<20832xi32, #tpu.memory_space<vmem>>[vector<16xi32>], vector<16xi32>,
      %gather3A_403 = tpu.vector_load_idx %arg10[%add3A_401] : memref<20832xi32, #tpu.memory_space<vmem>>[vector<16xi32>], vector<16xi32>,
      %gather3A_404 = tpu.vector_load_idx %arg11[%gather3A_402] : memref<100xf32, #tpu.memory_space<vmem>>[vector<16xi32>], vector<16xf32>,
      tpu.vector_store_idx %arg6[%gather3A_403], %gather3A_404 {add = true} : memref<16384xf32, #tpu.memory_space<vmem>>[vector<16xi32>], vector<16xf32>,
      %scan3A_405 = arith.constant 4 : i32
      %scan3A_406 = arith.addi %scan3A_378, %scan3A_405 : i32
      %add3A_407 = vector.broadcast %scan3A_406 : i32 to vector<16xi32>
      %add3A_408 = arith.addi %mul3A_22, %add3A_407 : vector<16xi32>
      %gather3A_409 = tpu.vector_load_idx %arg8[%add3A_408] : memref<20832xi32, #tpu.memory_space<vmem>>[vector<16xi32>], vector<16xi32>,
      %gather3A_410 = tpu.vector_load_idx %arg10[%add3A_408] : memref<20832xi32, #tpu.memory_space<vmem>>[vector<16xi32>], vector<16xi32>,
      %gather3A_411 = tpu.vector_load_idx %arg11[%gather3A_409] : memref<100xf32, #tpu.memory_space<vmem>>[vector<16xi32>], vector<16xf32>,
      tpu.vector_store_idx %arg6[%gather3A_410], %gather3A_411 {add = true} : memref<16384xf32, #tpu.memory_space<vmem>>[vector<16xi32>], vector<16xf32>,
      %scan3A_412 = arith.constant 5 : i32
      %scan3A_413 = arith.addi %scan3A_378, %scan3A_412 : i32
      %add3A_414 = vector.broadcast %scan3A_413 : i32 to vector<16xi32>
      %add3A_415 = arith.addi %mul3A_22, %add3A_414 : vector<16xi32>
      %gather3A_416 = tpu.vector_load_idx %arg8[%add3A_415] : memref<20832xi32, #tpu.memory_space<vmem>>[vector<16xi32>], vector<16xi32>,
      %gather3A_417 = tpu.vector_load_idx %arg10[%add3A_415] : memref<20832xi32, #tpu.memory_space<vmem>>[vector<16xi32>], vector<16xi32>,
      %gather3A_418 = tpu.vector_load_idx %arg11[%gather3A_416] : memref<100xf32, #tpu.memory_space<vmem>>[vector<16xi32>], vector<16xf32>,
      tpu.vector_store_idx %arg6[%gather3A_417], %gather3A_418 {add = true} : memref<16384xf32, #tpu.memory_space<vmem>>[vector<16xi32>], vector<16xf32>,
      %scan3A_419 = arith.constant 6 : i32
      %scan3A_420 = arith.addi %scan3A_378, %scan3A_419 : i32
      %add3A_421 = vector.broadcast %scan3A_420 : i32 to vector<16xi32>
      %add3A_422 = arith.addi %mul3A_22, %add3A_421 : vector<16xi32>
      %gather3A_423 = tpu.vector_load_idx %arg8[%add3A_422] : memref<20832xi32, #tpu.memory_space<vmem>>[vector<16xi32>], vector<16xi32>,
      %gather3A_424 = tpu.vector_load_idx %arg10[%add3A_422] : memref<20832xi32, #tpu.memory_space<vmem>>[vector<16xi32>], vector<16xi32>,
      %gather3A_425 = tpu.vector_load_idx %arg11[%gather3A_423] : memref<100xf32, #tpu.memory_space<vmem>>[vector<16xi32>], vector<16xf32>,
      tpu.vector_store_idx %arg6[%gather3A_424], %gather3A_425 {add = true} : memref<16384xf32, #tpu.memory_space<vmem>>[vector<16xi32>], vector<16xf32>,
      %scan3A_426 = arith.constant 7 : i32
      %scan3A_427 = arith.addi %scan3A_378, %scan3A_426 : i32
      %add3A_428 = vector.broadcast %scan3A_427 : i32 to vector<16xi32>
      %add3A_429 = arith.addi %mul3A_22, %add3A_428 : vector<16xi32>
      %gather3A_430 = tpu.vector_load_idx %arg8[%add3A_429] : memref<20832xi32, #tpu.memory_space<vmem>>[vector<16xi32>], vector<16xi32>,
      %gather3A_431 = tpu.vector_load_idx %arg10[%add3A_429] : memref<20832xi32, #tpu.memory_space<vmem>>[vector<16xi32>], vector<16xi32>,
      %gather3A_432 = tpu.vector_load_idx %arg11[%gather3A_430] : memref<100xf32, #tpu.memory_space<vmem>>[vector<16xi32>], vector<16xf32>,
      tpu.vector_store_idx %arg6[%gather3A_431], %gather3A_432 {add = true} : memref<16384xf32, #tpu.memory_space<vmem>>[vector<16xi32>], vector<16xf32>,
    }
    %scan3A_92 = arith.constant 1296 : i32
    %scan3A_93 = arith.addi %scan3A_88, %scan3A_92 : i32
    %add3A_94 = vector.broadcast %scan3A_93 : i32 to vector<16xi32>
    %add3A_95 = arith.addi %mul3A_22, %add3A_94 : vector<16xi32>
    %gather3A_96 = tpu.vector_load_idx %arg8[%add3A_95] : memref<20832xi32, #tpu.memory_space<vmem>>[vector<16xi32>], vector<16xi32>,
    %gather3A_97 = tpu.vector_load_idx %arg10[%add3A_95] : memref<20832xi32, #tpu.memory_space<vmem>>[vector<16xi32>], vector<16xi32>,
    %gather3A_98 = tpu.vector_load_idx %arg11[%gather3A_96] : memref<100xf32, #tpu.memory_space<vmem>>[vector<16xi32>], vector<16xf32>,
    tpu.vector_store_idx %arg6[%gather3A_97], %gather3A_98 {add = true} : memref<16384xf32, #tpu.memory_space<vmem>>[vector<16xi32>], vector<16xf32>,
    %scan3A_99 = arith.constant 1297 : i32
    %scan3A_100 = arith.addi %scan3A_88, %scan3A_99 : i32
    %add3A_101 = vector.broadcast %scan3A_100 : i32 to vector<16xi32>
    %add3A_102 = arith.addi %mul3A_22, %add3A_101 : vector<16xi32>
    %gather3A_103 = tpu.vector_load_idx %arg8[%add3A_102] : memref<20832xi32, #tpu.memory_space<vmem>>[vector<16xi32>], vector<16xi32>,
    %gather3A_104 = tpu.vector_load_idx %arg10[%add3A_102] : memref<20832xi32, #tpu.memory_space<vmem>>[vector<16xi32>], vector<16xi32>,
    %gather3A_105 = tpu.vector_load_idx %arg11[%gather3A_103] : memref<100xf32, #tpu.memory_space<vmem>>[vector<16xi32>], vector<16xf32>,
    tpu.vector_store_idx %arg6[%gather3A_104], %gather3A_105 {add = true} : memref<16384xf32, #tpu.memory_space<vmem>>[vector<16xi32>], vector<16xf32>,
    %scan3A_106 = arith.constant 1298 : i32
    %scan3A_107 = arith.addi %scan3A_88, %scan3A_106 : i32
    %add3A_108 = vector.broadcast %scan3A_107 : i32 to vector<16xi32>
    %add3A_109 = arith.addi %mul3A_22, %add3A_108 : vector<16xi32>
    %gather3A_110 = tpu.vector_load_idx %arg8[%add3A_109] : memref<20832xi32, #tpu.memory_space<vmem>>[vector<16xi32>], vector<16xi32>,
    %gather3A_111 = tpu.vector_load_idx %arg10[%add3A_109] : memref<20832xi32, #tpu.memory_space<vmem>>[vector<16xi32>], vector<16xi32>,
    %gather3A_112 = tpu.vector_load_idx %arg11[%gather3A_110] : memref<100xf32, #tpu.memory_space<vmem>>[vector<16xi32>], vector<16xf32>,
    tpu.vector_store_idx %arg6[%gather3A_111], %gather3A_112 {add = true} : memref<16384xf32, #tpu.memory_space<vmem>>[vector<16xi32>], vector<16xf32>,
    %scan3A_113 = arith.constant 1299 : i32
    %scan3A_114 = arith.addi %scan3A_88, %scan3A_113 : i32
    %add3A_115 = vector.broadcast %scan3A_114 : i32 to vector<16xi32>
    %add3A_116 = arith.addi %mul3A_22, %add3A_115 : vector<16xi32>
    %gather3A_117 = tpu.vector_load_idx %arg8[%add3A_116] : memref<20832xi32, #tpu.memory_space<vmem>>[vector<16xi32>], vector<16xi32>,
    %gather3A_118 = tpu.vector_load_idx %arg10[%add3A_116] : memref<20832xi32, #tpu.memory_space<vmem>>[vector<16xi32>], vector<16xi32>,
    %gather3A_119 = tpu.vector_load_idx %arg11[%gather3A_117] : memref<100xf32, #tpu.memory_space<vmem>>[vector<16xi32>], vector<16xf32>,
    tpu.vector_store_idx %arg6[%gather3A_118], %gather3A_119 {add = true} : memref<16384xf32, #tpu.memory_space<vmem>>[vector<16xi32>], vector<16xf32>,
    %scan3A_120 = arith.constant 1300 : i32
    %scan3A_121 = arith.addi %scan3A_88, %scan3A_120 : i32
    %add3A_122 = vector.broadcast %scan3A_121 : i32 to vector<16xi32>
    %add3A_123 = arith.addi %mul3A_22, %add3A_122 : vector<16xi32>
    %gather3A_124 = tpu.vector_load_idx %arg8[%add3A_123] : memref<20832xi32, #tpu.memory_space<vmem>>[vector<16xi32>], vector<16xi32>,
    %gather3A_125 = tpu.vector_load_idx %arg10[%add3A_123] : memref<20832xi32, #tpu.memory_space<vmem>>[vector<16xi32>], vector<16xi32>,
    %gather3A_126 = tpu.vector_load_idx %arg11[%gather3A_124] : memref<100xf32, #tpu.memory_space<vmem>>[vector<16xi32>], vector<16xf32>,
    tpu.vector_store_idx %arg6[%gather3A_125], %gather3A_126 {add = true} : memref<16384xf32, #tpu.memory_space<vmem>>[vector<16xi32>], vector<16xf32>,
    %scan3A_127 = arith.constant 1301 : i32
    %scan3A_128 = arith.addi %scan3A_88, %scan3A_127 : i32
    %add3A_129 = vector.broadcast %scan3A_128 : i32 to vector<16xi32>
    %add3A_130 = arith.addi %mul3A_22, %add3A_129 : vector<16xi32>
    %gather3A_131 = tpu.vector_load_idx %arg8[%add3A_130] : memref<20832xi32, #tpu.memory_space<vmem>>[vector<16xi32>], vector<16xi32>,
    %gather3A_132 = tpu.vector_load_idx %arg10[%add3A_130] : memref<20832xi32, #tpu.memory_space<vmem>>[vector<16xi32>], vector<16xi32>,
    %gather3A_133 = tpu.vector_load_idx %arg11[%gather3A_131] : memref<100xf32, #tpu.memory_space<vmem>>[vector<16xi32>], vector<16xf32>,
    tpu.vector_store_idx %arg6[%gather3A_132], %gather3A_133 {add = true} : memref<16384xf32, #tpu.memory_space<vmem>>[vector<16xi32>], vector<16xf32>,
    %scan3A_134 = arith.constant 1302 : i32
    %add3A_135 = arith.constant 62496 : i32
    %add3A_136 = arith.addi %mul3A_2, %add3A_135 : i32
    %dma_start3A_137 = tpu.memref_slice %arg2[%add3A_136] : memref<4000000xi32, #tpu.memory_space<hbm>> -> memref<20832xi32, #tpu.memory_space<hbm>>
    %dma_start3A_138 = tpu.memref_slice %arg2[%add3A_136] : memref<4000000xi32, #tpu.memory_space<hbm>> -> memref<20832xi32, #tpu.memory_space<hbm>>
    tpu.enqueue_dma source(%dma_start3A_138 : memref<20832xi32, #tpu.memory_space<hbm>>) target(%arg8 : memref<20832xi32, #tpu.memory_space<vmem>>) target_semaphore(%arg15 : memref<!tpu.dma_semaphore, #tpu.memory_space<semaphore_mem>>)
    %dma_start3A_139 = tpu.memref_slice %arg3[%add3A_136] : memref<4000000xi32, #tpu.memory_space<hbm>> -> memref<20832xi32, #tpu.memory_space<hbm>>
    %dma_start3A_140 = tpu.memref_slice %arg3[%add3A_136] : memref<4000000xi32, #tpu.memory_space<hbm>> -> memref<20832xi32, #tpu.memory_space<hbm>>
    tpu.enqueue_dma source(%dma_start3A_140 : memref<20832xi32, #tpu.memory_space<hbm>>) target(%arg10 : memref<20832xi32, #tpu.memory_space<vmem>>) target_semaphore(%arg15 : memref<!tpu.dma_semaphore, #tpu.memory_space<semaphore_mem>>)
    %add3A_141 = arith.constant 41664 : i32
    %add3A_142 = arith.addi %mul3A_2, %add3A_141 : i32
    %dma_wait3A_143 = tpu.memref_slice %arg2[%add3A_142] : memref<4000000xi32, #tpu.memory_space<hbm>> -> memref<20832xi32, #tpu.memory_space<hbm>>
    %dma_wait3A_144 = tpu.memref_slice %arg2[%add3A_142] : memref<4000000xi32, #tpu.memory_space<hbm>> -> memref<20832xi32, #tpu.memory_space<hbm>>
    tpu.wait_dma2 semaphore(%arg14 : memref<!tpu.dma_semaphore, #tpu.memory_space<semaphore_mem>>) src(%dma_wait3A_144 : memref<20832xi32, #tpu.memory_space<hbm>>) dst(%arg7 : memref<20832xi32, #tpu.memory_space<vmem>>)
    %dma_wait3A_145 = tpu.memref_slice %arg3[%add3A_142] : memref<4000000xi32, #tpu.memory_space<hbm>> -> memref<20832xi32, #tpu.memory_space<hbm>>
    %dma_wait3A_146 = tpu.memref_slice %arg3[%add3A_142] : memref<4000000xi32, #tpu.memory_space<hbm>> -> memref<20832xi32, #tpu.memory_space<hbm>>
    tpu.wait_dma2 semaphore(%arg14 : memref<!tpu.dma_semaphore, #tpu.memory_space<semaphore_mem>>) src(%dma_wait3A_146 : memref<20832xi32, #tpu.memory_space<hbm>>) dst(%arg9 : memref<20832xi32, #tpu.memory_space<vmem>>)
    %scan3A_147 = arith.constant 0 : i32
    %scan3A_148 = arith.constant 0 : i32
    %scan3A_149 = arith.constant 1296 : i32
    %scan3A_150 = arith.addi %scan3A_148, %scan3A_149 : i32
    %scan3A_151 = arith.constant 8 : i32
    scf.for %scan3A_378 = %scan3A_148 to %scan3A_150 step %scan3A_151  : i32 {
      %add3A_379 = vector.broadcast %scan3A_378 : i32 to vector<16xi32>
      %add3A_380 = arith.addi %mul3A_22, %add3A_379 : vector<16xi32>
      %gather3A_381 = tpu.vector_load_idx %arg7[%add3A_380] : memref<20832xi32, #tpu.memory_space<vmem>>[vector<16xi32>], vector<16xi32>,
      %gather3A_382 = tpu.vector_load_idx %arg9[%add3A_380] : memref<20832xi32, #tpu.memory_space<vmem>>[vector<16xi32>], vector<16xi32>,
      %gather3A_383 = tpu.vector_load_idx %arg11[%gather3A_381] : memref<100xf32, #tpu.memory_space<vmem>>[vector<16xi32>], vector<16xf32>,
      tpu.vector_store_idx %arg6[%gather3A_382], %gather3A_383 {add = true} : memref<16384xf32, #tpu.memory_space<vmem>>[vector<16xi32>], vector<16xf32>,
      %scan3A_384 = arith.constant 1 : i32
      %scan3A_385 = arith.addi %scan3A_378, %scan3A_384 : i32
      %add3A_386 = vector.broadcast %scan3A_385 : i32 to vector<16xi32>
      %add3A_387 = arith.addi %mul3A_22, %add3A_386 : vector<16xi32>
      %gather3A_388 = tpu.vector_load_idx %arg7[%add3A_387] : memref<20832xi32, #tpu.memory_space<vmem>>[vector<16xi32>], vector<16xi32>,
      %gather3A_389 = tpu.vector_load_idx %arg9[%add3A_387] : memref<20832xi32, #tpu.memory_space<vmem>>[vector<16xi32>], vector<16xi32>,
      %gather3A_390 = tpu.vector_load_idx %arg11[%gather3A_388] : memref<100xf32, #tpu.memory_space<vmem>>[vector<16xi32>], vector<16xf32>,
      tpu.vector_store_idx %arg6[%gather3A_389], %gather3A_390 {add = true} : memref<16384xf32, #tpu.memory_space<vmem>>[vector<16xi32>], vector<16xf32>,
      %scan3A_391 = arith.constant 2 : i32
      %scan3A_392 = arith.addi %scan3A_378, %scan3A_391 : i32
      %add3A_393 = vector.broadcast %scan3A_392 : i32 to vector<16xi32>
      %add3A_394 = arith.addi %mul3A_22, %add3A_393 : vector<16xi32>
      %gather3A_395 = tpu.vector_load_idx %arg7[%add3A_394] : memref<20832xi32, #tpu.memory_space<vmem>>[vector<16xi32>], vector<16xi32>,
      %gather3A_396 = tpu.vector_load_idx %arg9[%add3A_394] : memref<20832xi32, #tpu.memory_space<vmem>>[vector<16xi32>], vector<16xi32>,
      %gather3A_397 = tpu.vector_load_idx %arg11[%gather3A_395] : memref<100xf32, #tpu.memory_space<vmem>>[vector<16xi32>], vector<16xf32>,
      tpu.vector_store_idx %arg6[%gather3A_396], %gather3A_397 {add = true} : memref<16384xf32, #tpu.memory_space<vmem>>[vector<16xi32>], vector<16xf32>,
      %scan3A_398 = arith.constant 3 : i32
      %scan3A_399 = arith.addi %scan3A_378, %scan3A_398 : i32
      %add3A_400 = vector.broadcast %scan3A_399 : i32 to vector<16xi32>
      %add3A_401 = arith.addi %mul3A_22, %add3A_400 : vector<16xi32>
      %gather3A_402 = tpu.vector_load_idx %arg7[%add3A_401] : memref<20832xi32, #tpu.memory_space<vmem>>[vector<16xi32>], vector<16xi32>,
      %gather3A_403 = tpu.vector_load_idx %arg9[%add3A_401] : memref<20832xi32, #tpu.memory_space<vmem>>[vector<16xi32>], vector<16xi32>,
      %gather3A_404 = tpu.vector_load_idx %arg11[%gather3A_402] : memref<100xf32, #tpu.memory_space<vmem>>[vector<16xi32>], vector<16xf32>,
      tpu.vector_store_idx %arg6[%gather3A_403], %gather3A_404 {add = true} : memref<16384xf32, #tpu.memory_space<vmem>>[vector<16xi32>], vector<16xf32>,
      %scan3A_405 = arith.constant 4 : i32
      %scan3A_406 = arith.addi %scan3A_378, %scan3A_405 : i32
      %add3A_407 = vector.broadcast %scan3A_406 : i32 to vector<16xi32>
      %add3A_408 = arith.addi %mul3A_22, %add3A_407 : vector<16xi32>
      %gather3A_409 = tpu.vector_load_idx %arg7[%add3A_408] : memref<20832xi32, #tpu.memory_space<vmem>>[vector<16xi32>], vector<16xi32>,
      %gather3A_410 = tpu.vector_load_idx %arg9[%add3A_408] : memref<20832xi32, #tpu.memory_space<vmem>>[vector<16xi32>], vector<16xi32>,
      %gather3A_411 = tpu.vector_load_idx %arg11[%gather3A_409] : memref<100xf32, #tpu.memory_space<vmem>>[vector<16xi32>], vector<16xf32>,
      tpu.vector_store_idx %arg6[%gather3A_410], %gather3A_411 {add = true} : memref<16384xf32, #tpu.memory_space<vmem>>[vector<16xi32>], vector<16xf32>,
      %scan3A_412 = arith.constant 5 : i32
      %scan3A_413 = arith.addi %scan3A_378, %scan3A_412 : i32
      %add3A_414 = vector.broadcast %scan3A_413 : i32 to vector<16xi32>
      %add3A_415 = arith.addi %mul3A_22, %add3A_414 : vector<16xi32>
      %gather3A_416 = tpu.vector_load_idx %arg7[%add3A_415] : memref<20832xi32, #tpu.memory_space<vmem>>[vector<16xi32>], vector<16xi32>,
      %gather3A_417 = tpu.vector_load_idx %arg9[%add3A_415] : memref<20832xi32, #tpu.memory_space<vmem>>[vector<16xi32>], vector<16xi32>,
      %gather3A_418 = tpu.vector_load_idx %arg11[%gather3A_416] : memref<100xf32, #tpu.memory_space<vmem>>[vector<16xi32>], vector<16xf32>,
      tpu.vector_store_idx %arg6[%gather3A_417], %gather3A_418 {add = true} : memref<16384xf32, #tpu.memory_space<vmem>>[vector<16xi32>], vector<16xf32>,
      %scan3A_419 = arith.constant 6 : i32
      %scan3A_420 = arith.addi %scan3A_378, %scan3A_419 : i32
      %add3A_421 = vector.broadcast %scan3A_420 : i32 to vector<16xi32>
      %add3A_422 = arith.addi %mul3A_22, %add3A_421 : vector<16xi32>
      %gather3A_423 = tpu.vector_load_idx %arg7[%add3A_422] : memref<20832xi32, #tpu.memory_space<vmem>>[vector<16xi32>], vector<16xi32>,
      %gather3A_424 = tpu.vector_load_idx %arg9[%add3A_422] : memref<20832xi32, #tpu.memory_space<vmem>>[vector<16xi32>], vector<16xi32>,
      %gather3A_425 = tpu.vector_load_idx %arg11[%gather3A_423] : memref<100xf32, #tpu.memory_space<vmem>>[vector<16xi32>], vector<16xf32>,
      tpu.vector_store_idx %arg6[%gather3A_424], %gather3A_425 {add = true} : memref<16384xf32, #tpu.memory_space<vmem>>[vector<16xi32>], vector<16xf32>,
      %scan3A_426 = arith.constant 7 : i32
      %scan3A_427 = arith.addi %scan3A_378, %scan3A_426 : i32
      %add3A_428 = vector.broadcast %scan3A_427 : i32 to vector<16xi32>
      %add3A_429 = arith.addi %mul3A_22, %add3A_428 : vector<16xi32>
      %gather3A_430 = tpu.vector_load_idx %arg7[%add3A_429] : memref<20832xi32, #tpu.memory_space<vmem>>[vector<16xi32>], vector<16xi32>,
      %gather3A_431 = tpu.vector_load_idx %arg9[%add3A_429] : memref<20832xi32, #tpu.memory_space<vmem>>[vector<16xi32>], vector<16xi32>,
      %gather3A_432 = tpu.vector_load_idx %arg11[%gather3A_430] : memref<100xf32, #tpu.memory_space<vmem>>[vector<16xi32>], vector<16xf32>,
      tpu.vector_store_idx %arg6[%gather3A_431], %gather3A_432 {add = true} : memref<16384xf32, #tpu.memory_space<vmem>>[vector<16xi32>], vector<16xf32>,
    }
    %scan3A_152 = arith.constant 1296 : i32
    %scan3A_153 = arith.addi %scan3A_148, %scan3A_152 : i32
    %add3A_154 = vector.broadcast %scan3A_153 : i32 to vector<16xi32>
    %add3A_155 = arith.addi %mul3A_22, %add3A_154 : vector<16xi32>
    %gather3A_156 = tpu.vector_load_idx %arg7[%add3A_155] : memref<20832xi32, #tpu.memory_space<vmem>>[vector<16xi32>], vector<16xi32>,
    %gather3A_157 = tpu.vector_load_idx %arg9[%add3A_155] : memref<20832xi32, #tpu.memory_space<vmem>>[vector<16xi32>], vector<16xi32>,
    %gather3A_158 = tpu.vector_load_idx %arg11[%gather3A_156] : memref<100xf32, #tpu.memory_space<vmem>>[vector<16xi32>], vector<16xf32>,
    tpu.vector_store_idx %arg6[%gather3A_157], %gather3A_158 {add = true} : memref<16384xf32, #tpu.memory_space<vmem>>[vector<16xi32>], vector<16xf32>,
    %scan3A_159 = arith.constant 1297 : i32
    %scan3A_160 = arith.addi %scan3A_148, %scan3A_159 : i32
    %add3A_161 = vector.broadcast %scan3A_160 : i32 to vector<16xi32>
    %add3A_162 = arith.addi %mul3A_22, %add3A_161 : vector<16xi32>
    %gather3A_163 = tpu.vector_load_idx %arg7[%add3A_162] : memref<20832xi32, #tpu.memory_space<vmem>>[vector<16xi32>], vector<16xi32>,
    %gather3A_164 = tpu.vector_load_idx %arg9[%add3A_162] : memref<20832xi32, #tpu.memory_space<vmem>>[vector<16xi32>], vector<16xi32>,
    %gather3A_165 = tpu.vector_load_idx %arg11[%gather3A_163] : memref<100xf32, #tpu.memory_space<vmem>>[vector<16xi32>], vector<16xf32>,
    tpu.vector_store_idx %arg6[%gather3A_164], %gather3A_165 {add = true} : memref<16384xf32, #tpu.memory_space<vmem>>[vector<16xi32>], vector<16xf32>,
    %scan3A_166 = arith.constant 1298 : i32
    %scan3A_167 = arith.addi %scan3A_148, %scan3A_166 : i32
    %add3A_168 = vector.broadcast %scan3A_167 : i32 to vector<16xi32>
    %add3A_169 = arith.addi %mul3A_22, %add3A_168 : vector<16xi32>
    %gather3A_170 = tpu.vector_load_idx %arg7[%add3A_169] : memref<20832xi32, #tpu.memory_space<vmem>>[vector<16xi32>], vector<16xi32>,
    %gather3A_171 = tpu.vector_load_idx %arg9[%add3A_169] : memref<20832xi32, #tpu.memory_space<vmem>>[vector<16xi32>], vector<16xi32>,
    %gather3A_172 = tpu.vector_load_idx %arg11[%gather3A_170] : memref<100xf32, #tpu.memory_space<vmem>>[vector<16xi32>], vector<16xf32>,
    tpu.vector_store_idx %arg6[%gather3A_171], %gather3A_172 {add = true} : memref<16384xf32, #tpu.memory_space<vmem>>[vector<16xi32>], vector<16xf32>,
    %scan3A_173 = arith.constant 1299 : i32
    %scan3A_174 = arith.addi %scan3A_148, %scan3A_173 : i32
    %add3A_175 = vector.broadcast %scan3A_174 : i32 to vector<16xi32>
    %add3A_176 = arith.addi %mul3A_22, %add3A_175 : vector<16xi32>
    %gather3A_177 = tpu.vector_load_idx %arg7[%add3A_176] : memref<20832xi32, #tpu.memory_space<vmem>>[vector<16xi32>], vector<16xi32>,
    %gather3A_178 = tpu.vector_load_idx %arg9[%add3A_176] : memref<20832xi32, #tpu.memory_space<vmem>>[vector<16xi32>], vector<16xi32>,
    %gather3A_179 = tpu.vector_load_idx %arg11[%gather3A_177] : memref<100xf32, #tpu.memory_space<vmem>>[vector<16xi32>], vector<16xf32>,
    tpu.vector_store_idx %arg6[%gather3A_178], %gather3A_179 {add = true} : memref<16384xf32, #tpu.memory_space<vmem>>[vector<16xi32>], vector<16xf32>,
    %scan3A_180 = arith.constant 1300 : i32
    %scan3A_181 = arith.addi %scan3A_148, %scan3A_180 : i32
    %add3A_182 = vector.broadcast %scan3A_181 : i32 to vector<16xi32>
    %add3A_183 = arith.addi %mul3A_22, %add3A_182 : vector<16xi32>
    %gather3A_184 = tpu.vector_load_idx %arg7[%add3A_183] : memref<20832xi32, #tpu.memory_space<vmem>>[vector<16xi32>], vector<16xi32>,
    %gather3A_185 = tpu.vector_load_idx %arg9[%add3A_183] : memref<20832xi32, #tpu.memory_space<vmem>>[vector<16xi32>], vector<16xi32>,
    %gather3A_186 = tpu.vector_load_idx %arg11[%gather3A_184] : memref<100xf32, #tpu.memory_space<vmem>>[vector<16xi32>], vector<16xf32>,
    tpu.vector_store_idx %arg6[%gather3A_185], %gather3A_186 {add = true} : memref<16384xf32, #tpu.memory_space<vmem>>[vector<16xi32>], vector<16xf32>,
    %scan3A_187 = arith.constant 1301 : i32
    %scan3A_188 = arith.addi %scan3A_148, %scan3A_187 : i32
    %add3A_189 = vector.broadcast %scan3A_188 : i32 to vector<16xi32>
    %add3A_190 = arith.addi %mul3A_22, %add3A_189 : vector<16xi32>
    %gather3A_191 = tpu.vector_load_idx %arg7[%add3A_190] : memref<20832xi32, #tpu.memory_space<vmem>>[vector<16xi32>], vector<16xi32>,
    %gather3A_192 = tpu.vector_load_idx %arg9[%add3A_190] : memref<20832xi32, #tpu.memory_space<vmem>>[vector<16xi32>], vector<16xi32>,
    %gather3A_193 = tpu.vector_load_idx %arg11[%gather3A_191] : memref<100xf32, #tpu.memory_space<vmem>>[vector<16xi32>], vector<16xf32>,
    tpu.vector_store_idx %arg6[%gather3A_192], %gather3A_193 {add = true} : memref<16384xf32, #tpu.memory_space<vmem>>[vector<16xi32>], vector<16xf32>,
    %scan3A_194 = arith.constant 1302 : i32
    %add3A_195 = arith.constant 83328 : i32
    %add3A_196 = arith.addi %mul3A_2, %add3A_195 : i32
    %dma_start3A_197 = tpu.memref_slice %arg2[%add3A_196] : memref<4000000xi32, #tpu.memory_space<hbm>> -> memref<20832xi32, #tpu.memory_space<hbm>>
    %dma_start3A_198 = tpu.memref_slice %arg2[%add3A_196] : memref<4000000xi32, #tpu.memory_space<hbm>> -> memref<20832xi32, #tpu.memory_space<hbm>>
    tpu.enqueue_dma source(%dma_start3A_198 : memref<20832xi32, #tpu.memory_space<hbm>>) target(%arg7 : memref<20832xi32, #tpu.memory_space<vmem>>) target_semaphore(%arg14 : memref<!tpu.dma_semaphore, #tpu.memory_space<semaphore_mem>>)
    %dma_start3A_199 = tpu.memref_slice %arg3[%add3A_196] : memref<4000000xi32, #tpu.memory_space<hbm>> -> memref<20832xi32, #tpu.memory_space<hbm>>
    %dma_start3A_200 = tpu.memref_slice %arg3[%add3A_196] : memref<4000000xi32, #tpu.memory_space<hbm>> -> memref<20832xi32, #tpu.memory_space<hbm>>
    tpu.enqueue_dma source(%dma_start3A_200 : memref<20832xi32, #tpu.memory_space<hbm>>) target(%arg9 : memref<20832xi32, #tpu.memory_space<vmem>>) target_semaphore(%arg14 : memref<!tpu.dma_semaphore, #tpu.memory_space<semaphore_mem>>)
    %add3A_201 = arith.constant 62496 : i32
    %add3A_202 = arith.addi %mul3A_2, %add3A_201 : i32
    %dma_wait3A_203 = tpu.memref_slice %arg2[%add3A_202] : memref<4000000xi32, #tpu.memory_space<hbm>> -> memref<20832xi32, #tpu.memory_space<hbm>>
    %dma_wait3A_204 = tpu.memref_slice %arg2[%add3A_202] : memref<4000000xi32, #tpu.memory_space<hbm>> -> memref<20832xi32, #tpu.memory_space<hbm>>
    tpu.wait_dma2 semaphore(%arg15 : memref<!tpu.dma_semaphore, #tpu.memory_space<semaphore_mem>>) src(%dma_wait3A_204 : memref<20832xi32, #tpu.memory_space<hbm>>) dst(%arg8 : memref<20832xi32, #tpu.memory_space<vmem>>)
    %dma_wait3A_205 = tpu.memref_slice %arg3[%add3A_202] : memref<4000000xi32, #tpu.memory_space<hbm>> -> memref<20832xi32, #tpu.memory_space<hbm>>
    %dma_wait3A_206 = tpu.memref_slice %arg3[%add3A_202] : memref<4000000xi32, #tpu.memory_space<hbm>> -> memref<20832xi32, #tpu.memory_space<hbm>>
    tpu.wait_dma2 semaphore(%arg15 : memref<!tpu.dma_semaphore, #tpu.memory_space<semaphore_mem>>) src(%dma_wait3A_206 : memref<20832xi32, #tpu.memory_space<hbm>>) dst(%arg10 : memref<20832xi32, #tpu.memory_space<vmem>>)
    %scan3A_207 = arith.constant 0 : i32
    %scan3A_208 = arith.constant 0 : i32
    %scan3A_209 = arith.constant 1296 : i32
    %scan3A_210 = arith.addi %scan3A_208, %scan3A_209 : i32
    %scan3A_211 = arith.constant 8 : i32
    scf.for %scan3A_378 = %scan3A_208 to %scan3A_210 step %scan3A_211  : i32 {
      %add3A_379 = vector.broadcast %scan3A_378 : i32 to vector<16xi32>
      %add3A_380 = arith.addi %mul3A_22, %add3A_379 : vector<16xi32>
      %gather3A_381 = tpu.vector_load_idx %arg8[%add3A_380] : memref<20832xi32, #tpu.memory_space<vmem>>[vector<16xi32>], vector<16xi32>,
      %gather3A_382 = tpu.vector_load_idx %arg10[%add3A_380] : memref<20832xi32, #tpu.memory_space<vmem>>[vector<16xi32>], vector<16xi32>,
      %gather3A_383 = tpu.vector_load_idx %arg11[%gather3A_381] : memref<100xf32, #tpu.memory_space<vmem>>[vector<16xi32>], vector<16xf32>,
      tpu.vector_store_idx %arg6[%gather3A_382], %gather3A_383 {add = true} : memref<16384xf32, #tpu.memory_space<vmem>>[vector<16xi32>], vector<16xf32>,
      %scan3A_384 = arith.constant 1 : i32
      %scan3A_385 = arith.addi %scan3A_378, %scan3A_384 : i32
      %add3A_386 = vector.broadcast %scan3A_385 : i32 to vector<16xi32>
      %add3A_387 = arith.addi %mul3A_22, %add3A_386 : vector<16xi32>
      %gather3A_388 = tpu.vector_load_idx %arg8[%add3A_387] : memref<20832xi32, #tpu.memory_space<vmem>>[vector<16xi32>], vector<16xi32>,
      %gather3A_389 = tpu.vector_load_idx %arg10[%add3A_387] : memref<20832xi32, #tpu.memory_space<vmem>>[vector<16xi32>], vector<16xi32>,
      %gather3A_390 = tpu.vector_load_idx %arg11[%gather3A_388] : memref<100xf32, #tpu.memory_space<vmem>>[vector<16xi32>], vector<16xf32>,
      tpu.vector_store_idx %arg6[%gather3A_389], %gather3A_390 {add = true} : memref<16384xf32, #tpu.memory_space<vmem>>[vector<16xi32>], vector<16xf32>,
      %scan3A_391 = arith.constant 2 : i32
      %scan3A_392 = arith.addi %scan3A_378, %scan3A_391 : i32
      %add3A_393 = vector.broadcast %scan3A_392 : i32 to vector<16xi32>
      %add3A_394 = arith.addi %mul3A_22, %add3A_393 : vector<16xi32>
      %gather3A_395 = tpu.vector_load_idx %arg8[%add3A_394] : memref<20832xi32, #tpu.memory_space<vmem>>[vector<16xi32>], vector<16xi32>,
      %gather3A_396 = tpu.vector_load_idx %arg10[%add3A_394] : memref<20832xi32, #tpu.memory_space<vmem>>[vector<16xi32>], vector<16xi32>,
      %gather3A_397 = tpu.vector_load_idx %arg11[%gather3A_395] : memref<100xf32, #tpu.memory_space<vmem>>[vector<16xi32>], vector<16xf32>,
      tpu.vector_store_idx %arg6[%gather3A_396], %gather3A_397 {add = true} : memref<16384xf32, #tpu.memory_space<vmem>>[vector<16xi32>], vector<16xf32>,
      %scan3A_398 = arith.constant 3 : i32
      %scan3A_399 = arith.addi %scan3A_378, %scan3A_398 : i32
      %add3A_400 = vector.broadcast %scan3A_399 : i32 to vector<16xi32>
      %add3A_401 = arith.addi %mul3A_22, %add3A_400 : vector<16xi32>
      %gather3A_402 = tpu.vector_load_idx %arg8[%add3A_401] : memref<20832xi32, #tpu.memory_space<vmem>>[vector<16xi32>], vector<16xi32>,
      %gather3A_403 = tpu.vector_load_idx %arg10[%add3A_401] : memref<20832xi32, #tpu.memory_space<vmem>>[vector<16xi32>], vector<16xi32>,
      %gather3A_404 = tpu.vector_load_idx %arg11[%gather3A_402] : memref<100xf32, #tpu.memory_space<vmem>>[vector<16xi32>], vector<16xf32>,
      tpu.vector_store_idx %arg6[%gather3A_403], %gather3A_404 {add = true} : memref<16384xf32, #tpu.memory_space<vmem>>[vector<16xi32>], vector<16xf32>,
      %scan3A_405 = arith.constant 4 : i32
      %scan3A_406 = arith.addi %scan3A_378, %scan3A_405 : i32
      %add3A_407 = vector.broadcast %scan3A_406 : i32 to vector<16xi32>
      %add3A_408 = arith.addi %mul3A_22, %add3A_407 : vector<16xi32>
      %gather3A_409 = tpu.vector_load_idx %arg8[%add3A_408] : memref<20832xi32, #tpu.memory_space<vmem>>[vector<16xi32>], vector<16xi32>,
      %gather3A_410 = tpu.vector_load_idx %arg10[%add3A_408] : memref<20832xi32, #tpu.memory_space<vmem>>[vector<16xi32>], vector<16xi32>,
      %gather3A_411 = tpu.vector_load_idx %arg11[%gather3A_409] : memref<100xf32, #tpu.memory_space<vmem>>[vector<16xi32>], vector<16xf32>,
      tpu.vector_store_idx %arg6[%gather3A_410], %gather3A_411 {add = true} : memref<16384xf32, #tpu.memory_space<vmem>>[vector<16xi32>], vector<16xf32>,
      %scan3A_412 = arith.constant 5 : i32
      %scan3A_413 = arith.addi %scan3A_378, %scan3A_412 : i32
      %add3A_414 = vector.broadcast %scan3A_413 : i32 to vector<16xi32>
      %add3A_415 = arith.addi %mul3A_22, %add3A_414 : vector<16xi32>
      %gather3A_416 = tpu.vector_load_idx %arg8[%add3A_415] : memref<20832xi32, #tpu.memory_space<vmem>>[vector<16xi32>], vector<16xi32>,
      %gather3A_417 = tpu.vector_load_idx %arg10[%add3A_415] : memref<20832xi32, #tpu.memory_space<vmem>>[vector<16xi32>], vector<16xi32>,
      %gather3A_418 = tpu.vector_load_idx %arg11[%gather3A_416] : memref<100xf32, #tpu.memory_space<vmem>>[vector<16xi32>], vector<16xf32>,
      tpu.vector_store_idx %arg6[%gather3A_417], %gather3A_418 {add = true} : memref<16384xf32, #tpu.memory_space<vmem>>[vector<16xi32>], vector<16xf32>,
      %scan3A_419 = arith.constant 6 : i32
      %scan3A_420 = arith.addi %scan3A_378, %scan3A_419 : i32
      %add3A_421 = vector.broadcast %scan3A_420 : i32 to vector<16xi32>
      %add3A_422 = arith.addi %mul3A_22, %add3A_421 : vector<16xi32>
      %gather3A_423 = tpu.vector_load_idx %arg8[%add3A_422] : memref<20832xi32, #tpu.memory_space<vmem>>[vector<16xi32>], vector<16xi32>,
      %gather3A_424 = tpu.vector_load_idx %arg10[%add3A_422] : memref<20832xi32, #tpu.memory_space<vmem>>[vector<16xi32>], vector<16xi32>,
      %gather3A_425 = tpu.vector_load_idx %arg11[%gather3A_423] : memref<100xf32, #tpu.memory_space<vmem>>[vector<16xi32>], vector<16xf32>,
      tpu.vector_store_idx %arg6[%gather3A_424], %gather3A_425 {add = true} : memref<16384xf32, #tpu.memory_space<vmem>>[vector<16xi32>], vector<16xf32>,
      %scan3A_426 = arith.constant 7 : i32
      %scan3A_427 = arith.addi %scan3A_378, %scan3A_426 : i32
      %add3A_428 = vector.broadcast %scan3A_427 : i32 to vector<16xi32>
      %add3A_429 = arith.addi %mul3A_22, %add3A_428 : vector<16xi32>
      %gather3A_430 = tpu.vector_load_idx %arg8[%add3A_429] : memref<20832xi32, #tpu.memory_space<vmem>>[vector<16xi32>], vector<16xi32>,
      %gather3A_431 = tpu.vector_load_idx %arg10[%add3A_429] : memref<20832xi32, #tpu.memory_space<vmem>>[vector<16xi32>], vector<16xi32>,
      %gather3A_432 = tpu.vector_load_idx %arg11[%gather3A_430] : memref<100xf32, #tpu.memory_space<vmem>>[vector<16xi32>], vector<16xf32>,
      tpu.vector_store_idx %arg6[%gather3A_431], %gather3A_432 {add = true} : memref<16384xf32, #tpu.memory_space<vmem>>[vector<16xi32>], vector<16xf32>,
    }
    %scan3A_212 = arith.constant 1296 : i32
    %scan3A_213 = arith.addi %scan3A_208, %scan3A_212 : i32
    %add3A_214 = vector.broadcast %scan3A_213 : i32 to vector<16xi32>
    %add3A_215 = arith.addi %mul3A_22, %add3A_214 : vector<16xi32>
    %gather3A_216 = tpu.vector_load_idx %arg8[%add3A_215] : memref<20832xi32, #tpu.memory_space<vmem>>[vector<16xi32>], vector<16xi32>,
    %gather3A_217 = tpu.vector_load_idx %arg10[%add3A_215] : memref<20832xi32, #tpu.memory_space<vmem>>[vector<16xi32>], vector<16xi32>,
    %gather3A_218 = tpu.vector_load_idx %arg11[%gather3A_216] : memref<100xf32, #tpu.memory_space<vmem>>[vector<16xi32>], vector<16xf32>,
    tpu.vector_store_idx %arg6[%gather3A_217], %gather3A_218 {add = true} : memref<16384xf32, #tpu.memory_space<vmem>>[vector<16xi32>], vector<16xf32>,
    %scan3A_219 = arith.constant 1297 : i32
    %scan3A_220 = arith.addi %scan3A_208, %scan3A_219 : i32
    %add3A_221 = vector.broadcast %scan3A_220 : i32 to vector<16xi32>
    %add3A_222 = arith.addi %mul3A_22, %add3A_221 : vector<16xi32>
    %gather3A_223 = tpu.vector_load_idx %arg8[%add3A_222] : memref<20832xi32, #tpu.memory_space<vmem>>[vector<16xi32>], vector<16xi32>,
    %gather3A_224 = tpu.vector_load_idx %arg10[%add3A_222] : memref<20832xi32, #tpu.memory_space<vmem>>[vector<16xi32>], vector<16xi32>,
    %gather3A_225 = tpu.vector_load_idx %arg11[%gather3A_223] : memref<100xf32, #tpu.memory_space<vmem>>[vector<16xi32>], vector<16xf32>,
    tpu.vector_store_idx %arg6[%gather3A_224], %gather3A_225 {add = true} : memref<16384xf32, #tpu.memory_space<vmem>>[vector<16xi32>], vector<16xf32>,
    %scan3A_226 = arith.constant 1298 : i32
    %scan3A_227 = arith.addi %scan3A_208, %scan3A_226 : i32
    %add3A_228 = vector.broadcast %scan3A_227 : i32 to vector<16xi32>
    %add3A_229 = arith.addi %mul3A_22, %add3A_228 : vector<16xi32>
    %gather3A_230 = tpu.vector_load_idx %arg8[%add3A_229] : memref<20832xi32, #tpu.memory_space<vmem>>[vector<16xi32>], vector<16xi32>,
    %gather3A_231 = tpu.vector_load_idx %arg10[%add3A_229] : memref<20832xi32, #tpu.memory_space<vmem>>[vector<16xi32>], vector<16xi32>,
    %gather3A_232 = tpu.vector_load_idx %arg11[%gather3A_230] : memref<100xf32, #tpu.memory_space<vmem>>[vector<16xi32>], vector<16xf32>,
    tpu.vector_store_idx %arg6[%gather3A_231], %gather3A_232 {add = true} : memref<16384xf32, #tpu.memory_space<vmem>>[vector<16xi32>], vector<16xf32>,
    %scan3A_233 = arith.constant 1299 : i32
    %scan3A_234 = arith.addi %scan3A_208, %scan3A_233 : i32
    %add3A_235 = vector.broadcast %scan3A_234 : i32 to vector<16xi32>
    %add3A_236 = arith.addi %mul3A_22, %add3A_235 : vector<16xi32>
    %gather3A_237 = tpu.vector_load_idx %arg8[%add3A_236] : memref<20832xi32, #tpu.memory_space<vmem>>[vector<16xi32>], vector<16xi32>,
    %gather3A_238 = tpu.vector_load_idx %arg10[%add3A_236] : memref<20832xi32, #tpu.memory_space<vmem>>[vector<16xi32>], vector<16xi32>,
    %gather3A_239 = tpu.vector_load_idx %arg11[%gather3A_237] : memref<100xf32, #tpu.memory_space<vmem>>[vector<16xi32>], vector<16xf32>,
    tpu.vector_store_idx %arg6[%gather3A_238], %gather3A_239 {add = true} : memref<16384xf32, #tpu.memory_space<vmem>>[vector<16xi32>], vector<16xf32>,
    %scan3A_240 = arith.constant 1300 : i32
    %scan3A_241 = arith.addi %scan3A_208, %scan3A_240 : i32
    %add3A_242 = vector.broadcast %scan3A_241 : i32 to vector<16xi32>
    %add3A_243 = arith.addi %mul3A_22, %add3A_242 : vector<16xi32>
    %gather3A_244 = tpu.vector_load_idx %arg8[%add3A_243] : memref<20832xi32, #tpu.memory_space<vmem>>[vector<16xi32>], vector<16xi32>,
    %gather3A_245 = tpu.vector_load_idx %arg10[%add3A_243] : memref<20832xi32, #tpu.memory_space<vmem>>[vector<16xi32>], vector<16xi32>,
    %gather3A_246 = tpu.vector_load_idx %arg11[%gather3A_244] : memref<100xf32, #tpu.memory_space<vmem>>[vector<16xi32>], vector<16xf32>,
    tpu.vector_store_idx %arg6[%gather3A_245], %gather3A_246 {add = true} : memref<16384xf32, #tpu.memory_space<vmem>>[vector<16xi32>], vector<16xf32>,
    %scan3A_247 = arith.constant 1301 : i32
    %scan3A_248 = arith.addi %scan3A_208, %scan3A_247 : i32
    %add3A_249 = vector.broadcast %scan3A_248 : i32 to vector<16xi32>
    %add3A_250 = arith.addi %mul3A_22, %add3A_249 : vector<16xi32>
    %gather3A_251 = tpu.vector_load_idx %arg8[%add3A_250] : memref<20832xi32, #tpu.memory_space<vmem>>[vector<16xi32>], vector<16xi32>,
    %gather3A_252 = tpu.vector_load_idx %arg10[%add3A_250] : memref<20832xi32, #tpu.memory_space<vmem>>[vector<16xi32>], vector<16xi32>,
    %gather3A_253 = tpu.vector_load_idx %arg11[%gather3A_251] : memref<100xf32, #tpu.memory_space<vmem>>[vector<16xi32>], vector<16xf32>,
    tpu.vector_store_idx %arg6[%gather3A_252], %gather3A_253 {add = true} : memref<16384xf32, #tpu.memory_space<vmem>>[vector<16xi32>], vector<16xf32>,
    %scan3A_254 = arith.constant 1302 : i32
    %add3A_255 = arith.constant 104160 : i32
    %add3A_256 = arith.addi %mul3A_2, %add3A_255 : i32
    %dma_start3A_257 = tpu.memref_slice %arg2[%add3A_256] : memref<4000000xi32, #tpu.memory_space<hbm>> -> memref<20832xi32, #tpu.memory_space<hbm>>
    %dma_start3A_258 = tpu.memref_slice %arg2[%add3A_256] : memref<4000000xi32, #tpu.memory_space<hbm>> -> memref<20832xi32, #tpu.memory_space<hbm>>
    tpu.enqueue_dma source(%dma_start3A_258 : memref<20832xi32, #tpu.memory_space<hbm>>) target(%arg8 : memref<20832xi32, #tpu.memory_space<vmem>>) target_semaphore(%arg15 : memref<!tpu.dma_semaphore, #tpu.memory_space<semaphore_mem>>)
    %dma_start3A_259 = tpu.memref_slice %arg3[%add3A_256] : memref<4000000xi32, #tpu.memory_space<hbm>> -> memref<20832xi32, #tpu.memory_space<hbm>>
    %dma_start3A_260 = tpu.memref_slice %arg3[%add3A_256] : memref<4000000xi32, #tpu.memory_space<hbm>> -> memref<20832xi32, #tpu.memory_space<hbm>>
    tpu.enqueue_dma source(%dma_start3A_260 : memref<20832xi32, #tpu.memory_space<hbm>>) target(%arg10 : memref<20832xi32, #tpu.memory_space<vmem>>) target_semaphore(%arg15 : memref<!tpu.dma_semaphore, #tpu.memory_space<semaphore_mem>>)
    %add3A_261 = arith.constant 83328 : i32
    %add3A_262 = arith.addi %mul3A_2, %add3A_261 : i32
    %dma_wait3A_263 = tpu.memref_slice %arg2[%add3A_262] : memref<4000000xi32, #tpu.memory_space<hbm>> -> memref<20832xi32, #tpu.memory_space<hbm>>
    %dma_wait3A_264 = tpu.memref_slice %arg2[%add3A_262] : memref<4000000xi32, #tpu.memory_space<hbm>> -> memref<20832xi32, #tpu.memory_space<hbm>>
    tpu.wait_dma2 semaphore(%arg14 : memref<!tpu.dma_semaphore, #tpu.memory_space<semaphore_mem>>) src(%dma_wait3A_264 : memref<20832xi32, #tpu.memory_space<hbm>>) dst(%arg7 : memref<20832xi32, #tpu.memory_space<vmem>>)
    %dma_wait3A_265 = tpu.memref_slice %arg3[%add3A_262] : memref<4000000xi32, #tpu.memory_space<hbm>> -> memref<20832xi32, #tpu.memory_space<hbm>>
    %dma_wait3A_266 = tpu.memref_slice %arg3[%add3A_262] : memref<4000000xi32, #tpu.memory_space<hbm>> -> memref<20832xi32, #tpu.memory_space<hbm>>
    tpu.wait_dma2 semaphore(%arg14 : memref<!tpu.dma_semaphore, #tpu.memory_space<semaphore_mem>>) src(%dma_wait3A_266 : memref<20832xi32, #tpu.memory_space<hbm>>) dst(%arg9 : memref<20832xi32, #tpu.memory_space<vmem>>)
    %scan3A_267 = arith.constant 0 : i32
    %scan3A_268 = arith.constant 0 : i32
    %scan3A_269 = arith.constant 1296 : i32
    %scan3A_270 = arith.addi %scan3A_268, %scan3A_269 : i32
    %scan3A_271 = arith.constant 8 : i32
    scf.for %scan3A_378 = %scan3A_268 to %scan3A_270 step %scan3A_271  : i32 {
      %add3A_379 = vector.broadcast %scan3A_378 : i32 to vector<16xi32>
      %add3A_380 = arith.addi %mul3A_22, %add3A_379 : vector<16xi32>
      %gather3A_381 = tpu.vector_load_idx %arg7[%add3A_380] : memref<20832xi32, #tpu.memory_space<vmem>>[vector<16xi32>], vector<16xi32>,
      %gather3A_382 = tpu.vector_load_idx %arg9[%add3A_380] : memref<20832xi32, #tpu.memory_space<vmem>>[vector<16xi32>], vector<16xi32>,
      %gather3A_383 = tpu.vector_load_idx %arg11[%gather3A_381] : memref<100xf32, #tpu.memory_space<vmem>>[vector<16xi32>], vector<16xf32>,
      tpu.vector_store_idx %arg6[%gather3A_382], %gather3A_383 {add = true} : memref<16384xf32, #tpu.memory_space<vmem>>[vector<16xi32>], vector<16xf32>,
      %scan3A_384 = arith.constant 1 : i32
      %scan3A_385 = arith.addi %scan3A_378, %scan3A_384 : i32
      %add3A_386 = vector.broadcast %scan3A_385 : i32 to vector<16xi32>
      %add3A_387 = arith.addi %mul3A_22, %add3A_386 : vector<16xi32>
      %gather3A_388 = tpu.vector_load_idx %arg7[%add3A_387] : memref<20832xi32, #tpu.memory_space<vmem>>[vector<16xi32>], vector<16xi32>,
      %gather3A_389 = tpu.vector_load_idx %arg9[%add3A_387] : memref<20832xi32, #tpu.memory_space<vmem>>[vector<16xi32>], vector<16xi32>,
      %gather3A_390 = tpu.vector_load_idx %arg11[%gather3A_388] : memref<100xf32, #tpu.memory_space<vmem>>[vector<16xi32>], vector<16xf32>,
      tpu.vector_store_idx %arg6[%gather3A_389], %gather3A_390 {add = true} : memref<16384xf32, #tpu.memory_space<vmem>>[vector<16xi32>], vector<16xf32>,
      %scan3A_391 = arith.constant 2 : i32
      %scan3A_392 = arith.addi %scan3A_378, %scan3A_391 : i32
      %add3A_393 = vector.broadcast %scan3A_392 : i32 to vector<16xi32>
      %add3A_394 = arith.addi %mul3A_22, %add3A_393 : vector<16xi32>
      %gather3A_395 = tpu.vector_load_idx %arg7[%add3A_394] : memref<20832xi32, #tpu.memory_space<vmem>>[vector<16xi32>], vector<16xi32>,
      %gather3A_396 = tpu.vector_load_idx %arg9[%add3A_394] : memref<20832xi32, #tpu.memory_space<vmem>>[vector<16xi32>], vector<16xi32>,
      %gather3A_397 = tpu.vector_load_idx %arg11[%gather3A_395] : memref<100xf32, #tpu.memory_space<vmem>>[vector<16xi32>], vector<16xf32>,
      tpu.vector_store_idx %arg6[%gather3A_396], %gather3A_397 {add = true} : memref<16384xf32, #tpu.memory_space<vmem>>[vector<16xi32>], vector<16xf32>,
      %scan3A_398 = arith.constant 3 : i32
      %scan3A_399 = arith.addi %scan3A_378, %scan3A_398 : i32
      %add3A_400 = vector.broadcast %scan3A_399 : i32 to vector<16xi32>
      %add3A_401 = arith.addi %mul3A_22, %add3A_400 : vector<16xi32>
      %gather3A_402 = tpu.vector_load_idx %arg7[%add3A_401] : memref<20832xi32, #tpu.memory_space<vmem>>[vector<16xi32>], vector<16xi32>,
      %gather3A_403 = tpu.vector_load_idx %arg9[%add3A_401] : memref<20832xi32, #tpu.memory_space<vmem>>[vector<16xi32>], vector<16xi32>,
      %gather3A_404 = tpu.vector_load_idx %arg11[%gather3A_402] : memref<100xf32, #tpu.memory_space<vmem>>[vector<16xi32>], vector<16xf32>,
      tpu.vector_store_idx %arg6[%gather3A_403], %gather3A_404 {add = true} : memref<16384xf32, #tpu.memory_space<vmem>>[vector<16xi32>], vector<16xf32>,
      %scan3A_405 = arith.constant 4 : i32
      %scan3A_406 = arith.addi %scan3A_378, %scan3A_405 : i32
      %add3A_407 = vector.broadcast %scan3A_406 : i32 to vector<16xi32>
      %add3A_408 = arith.addi %mul3A_22, %add3A_407 : vector<16xi32>
      %gather3A_409 = tpu.vector_load_idx %arg7[%add3A_408] : memref<20832xi32, #tpu.memory_space<vmem>>[vector<16xi32>], vector<16xi32>,
      %gather3A_410 = tpu.vector_load_idx %arg9[%add3A_408] : memref<20832xi32, #tpu.memory_space<vmem>>[vector<16xi32>], vector<16xi32>,
      %gather3A_411 = tpu.vector_load_idx %arg11[%gather3A_409] : memref<100xf32, #tpu.memory_space<vmem>>[vector<16xi32>], vector<16xf32>,
      tpu.vector_store_idx %arg6[%gather3A_410], %gather3A_411 {add = true} : memref<16384xf32, #tpu.memory_space<vmem>>[vector<16xi32>], vector<16xf32>,
      %scan3A_412 = arith.constant 5 : i32
      %scan3A_413 = arith.addi %scan3A_378, %scan3A_412 : i32
      %add3A_414 = vector.broadcast %scan3A_413 : i32 to vector<16xi32>
      %add3A_415 = arith.addi %mul3A_22, %add3A_414 : vector<16xi32>
      %gather3A_416 = tpu.vector_load_idx %arg7[%add3A_415] : memref<20832xi32, #tpu.memory_space<vmem>>[vector<16xi32>], vector<16xi32>,
      %gather3A_417 = tpu.vector_load_idx %arg9[%add3A_415] : memref<20832xi32, #tpu.memory_space<vmem>>[vector<16xi32>], vector<16xi32>,
      %gather3A_418 = tpu.vector_load_idx %arg11[%gather3A_416] : memref<100xf32, #tpu.memory_space<vmem>>[vector<16xi32>], vector<16xf32>,
      tpu.vector_store_idx %arg6[%gather3A_417], %gather3A_418 {add = true} : memref<16384xf32, #tpu.memory_space<vmem>>[vector<16xi32>], vector<16xf32>,
      %scan3A_419 = arith.constant 6 : i32
      %scan3A_420 = arith.addi %scan3A_378, %scan3A_419 : i32
      %add3A_421 = vector.broadcast %scan3A_420 : i32 to vector<16xi32>
      %add3A_422 = arith.addi %mul3A_22, %add3A_421 : vector<16xi32>
      %gather3A_423 = tpu.vector_load_idx %arg7[%add3A_422] : memref<20832xi32, #tpu.memory_space<vmem>>[vector<16xi32>], vector<16xi32>,
      %gather3A_424 = tpu.vector_load_idx %arg9[%add3A_422] : memref<20832xi32, #tpu.memory_space<vmem>>[vector<16xi32>], vector<16xi32>,
      %gather3A_425 = tpu.vector_load_idx %arg11[%gather3A_423] : memref<100xf32, #tpu.memory_space<vmem>>[vector<16xi32>], vector<16xf32>,
      tpu.vector_store_idx %arg6[%gather3A_424], %gather3A_425 {add = true} : memref<16384xf32, #tpu.memory_space<vmem>>[vector<16xi32>], vector<16xf32>,
      %scan3A_426 = arith.constant 7 : i32
      %scan3A_427 = arith.addi %scan3A_378, %scan3A_426 : i32
      %add3A_428 = vector.broadcast %scan3A_427 : i32 to vector<16xi32>
      %add3A_429 = arith.addi %mul3A_22, %add3A_428 : vector<16xi32>
      %gather3A_430 = tpu.vector_load_idx %arg7[%add3A_429] : memref<20832xi32, #tpu.memory_space<vmem>>[vector<16xi32>], vector<16xi32>,
      %gather3A_431 = tpu.vector_load_idx %arg9[%add3A_429] : memref<20832xi32, #tpu.memory_space<vmem>>[vector<16xi32>], vector<16xi32>,
      %gather3A_432 = tpu.vector_load_idx %arg11[%gather3A_430] : memref<100xf32, #tpu.memory_space<vmem>>[vector<16xi32>], vector<16xf32>,
      tpu.vector_store_idx %arg6[%gather3A_431], %gather3A_432 {add = true} : memref<16384xf32, #tpu.memory_space<vmem>>[vector<16xi32>], vector<16xf32>,
    }
    %scan3A_272 = arith.constant 1296 : i32
    %scan3A_273 = arith.addi %scan3A_268, %scan3A_272 : i32
    %add3A_274 = vector.broadcast %scan3A_273 : i32 to vector<16xi32>
    %add3A_275 = arith.addi %mul3A_22, %add3A_274 : vector<16xi32>
    %gather3A_276 = tpu.vector_load_idx %arg7[%add3A_275] : memref<20832xi32, #tpu.memory_space<vmem>>[vector<16xi32>], vector<16xi32>,
    %gather3A_277 = tpu.vector_load_idx %arg9[%add3A_275] : memref<20832xi32, #tpu.memory_space<vmem>>[vector<16xi32>], vector<16xi32>,
    %gather3A_278 = tpu.vector_load_idx %arg11[%gather3A_276] : memref<100xf32, #tpu.memory_space<vmem>>[vector<16xi32>], vector<16xf32>,
    tpu.vector_store_idx %arg6[%gather3A_277], %gather3A_278 {add = true} : memref<16384xf32, #tpu.memory_space<vmem>>[vector<16xi32>], vector<16xf32>,
    %scan3A_279 = arith.constant 1297 : i32
    %scan3A_280 = arith.addi %scan3A_268, %scan3A_279 : i32
    %add3A_281 = vector.broadcast %scan3A_280 : i32 to vector<16xi32>
    %add3A_282 = arith.addi %mul3A_22, %add3A_281 : vector<16xi32>
    %gather3A_283 = tpu.vector_load_idx %arg7[%add3A_282] : memref<20832xi32, #tpu.memory_space<vmem>>[vector<16xi32>], vector<16xi32>,
    %gather3A_284 = tpu.vector_load_idx %arg9[%add3A_282] : memref<20832xi32, #tpu.memory_space<vmem>>[vector<16xi32>], vector<16xi32>,
    %gather3A_285 = tpu.vector_load_idx %arg11[%gather3A_283] : memref<100xf32, #tpu.memory_space<vmem>>[vector<16xi32>], vector<16xf32>,
    tpu.vector_store_idx %arg6[%gather3A_284], %gather3A_285 {add = true} : memref<16384xf32, #tpu.memory_space<vmem>>[vector<16xi32>], vector<16xf32>,
    %scan3A_286 = arith.constant 1298 : i32
    %scan3A_287 = arith.addi %scan3A_268, %scan3A_286 : i32
    %add3A_288 = vector.broadcast %scan3A_287 : i32 to vector<16xi32>
    %add3A_289 = arith.addi %mul3A_22, %add3A_288 : vector<16xi32>
    %gather3A_290 = tpu.vector_load_idx %arg7[%add3A_289] : memref<20832xi32, #tpu.memory_space<vmem>>[vector<16xi32>], vector<16xi32>,
    %gather3A_291 = tpu.vector_load_idx %arg9[%add3A_289] : memref<20832xi32, #tpu.memory_space<vmem>>[vector<16xi32>], vector<16xi32>,
    %gather3A_292 = tpu.vector_load_idx %arg11[%gather3A_290] : memref<100xf32, #tpu.memory_space<vmem>>[vector<16xi32>], vector<16xf32>,
    tpu.vector_store_idx %arg6[%gather3A_291], %gather3A_292 {add = true} : memref<16384xf32, #tpu.memory_space<vmem>>[vector<16xi32>], vector<16xf32>,
    %scan3A_293 = arith.constant 1299 : i32
    %scan3A_294 = arith.addi %scan3A_268, %scan3A_293 : i32
    %add3A_295 = vector.broadcast %scan3A_294 : i32 to vector<16xi32>
    %add3A_296 = arith.addi %mul3A_22, %add3A_295 : vector<16xi32>
    %gather3A_297 = tpu.vector_load_idx %arg7[%add3A_296] : memref<20832xi32, #tpu.memory_space<vmem>>[vector<16xi32>], vector<16xi32>,
    %gather3A_298 = tpu.vector_load_idx %arg9[%add3A_296] : memref<20832xi32, #tpu.memory_space<vmem>>[vector<16xi32>], vector<16xi32>,
    %gather3A_299 = tpu.vector_load_idx %arg11[%gather3A_297] : memref<100xf32, #tpu.memory_space<vmem>>[vector<16xi32>], vector<16xf32>,
    tpu.vector_store_idx %arg6[%gather3A_298], %gather3A_299 {add = true} : memref<16384xf32, #tpu.memory_space<vmem>>[vector<16xi32>], vector<16xf32>,
    %scan3A_300 = arith.constant 1300 : i32
    %scan3A_301 = arith.addi %scan3A_268, %scan3A_300 : i32
    %add3A_302 = vector.broadcast %scan3A_301 : i32 to vector<16xi32>
    %add3A_303 = arith.addi %mul3A_22, %add3A_302 : vector<16xi32>
    %gather3A_304 = tpu.vector_load_idx %arg7[%add3A_303] : memref<20832xi32, #tpu.memory_space<vmem>>[vector<16xi32>], vector<16xi32>,
    %gather3A_305 = tpu.vector_load_idx %arg9[%add3A_303] : memref<20832xi32, #tpu.memory_space<vmem>>[vector<16xi32>], vector<16xi32>,
    %gather3A_306 = tpu.vector_load_idx %arg11[%gather3A_304] : memref<100xf32, #tpu.memory_space<vmem>>[vector<16xi32>], vector<16xf32>,
    tpu.vector_store_idx %arg6[%gather3A_305], %gather3A_306 {add = true} : memref<16384xf32, #tpu.memory_space<vmem>>[vector<16xi32>], vector<16xf32>,
    %scan3A_307 = arith.constant 1301 : i32
    %scan3A_308 = arith.addi %scan3A_268, %scan3A_307 : i32
    %add3A_309 = vector.broadcast %scan3A_308 : i32 to vector<16xi32>
    %add3A_310 = arith.addi %mul3A_22, %add3A_309 : vector<16xi32>
    %gather3A_311 = tpu.vector_load_idx %arg7[%add3A_310] : memref<20832xi32, #tpu.memory_space<vmem>>[vector<16xi32>], vector<16xi32>,
    %gather3A_312 = tpu.vector_load_idx %arg9[%add3A_310] : memref<20832xi32, #tpu.memory_space<vmem>>[vector<16xi32>], vector<16xi32>,
    %gather3A_313 = tpu.vector_load_idx %arg11[%gather3A_311] : memref<100xf32, #tpu.memory_space<vmem>>[vector<16xi32>], vector<16xf32>,
    tpu.vector_store_idx %arg6[%gather3A_312], %gather3A_313 {add = true} : memref<16384xf32, #tpu.memory_space<vmem>>[vector<16xi32>], vector<16xf32>,
    %scan3A_314 = arith.constant 1302 : i32
    %add3A_315 = arith.constant 104160 : i32
    %add3A_316 = arith.addi %mul3A_2, %add3A_315 : i32
    %dma_wait3A_317 = tpu.memref_slice %arg2[%add3A_316] : memref<4000000xi32, #tpu.memory_space<hbm>> -> memref<20832xi32, #tpu.memory_space<hbm>>
    %dma_wait3A_318 = tpu.memref_slice %arg2[%add3A_316] : memref<4000000xi32, #tpu.memory_space<hbm>> -> memref<20832xi32, #tpu.memory_space<hbm>>
    tpu.wait_dma2 semaphore(%arg15 : memref<!tpu.dma_semaphore, #tpu.memory_space<semaphore_mem>>) src(%dma_wait3A_318 : memref<20832xi32, #tpu.memory_space<hbm>>) dst(%arg8 : memref<20832xi32, #tpu.memory_space<vmem>>)
    %dma_wait3A_319 = tpu.memref_slice %arg3[%add3A_316] : memref<4000000xi32, #tpu.memory_space<hbm>> -> memref<20832xi32, #tpu.memory_space<hbm>>
    %dma_wait3A_320 = tpu.memref_slice %arg3[%add3A_316] : memref<4000000xi32, #tpu.memory_space<hbm>> -> memref<20832xi32, #tpu.memory_space<hbm>>
    tpu.wait_dma2 semaphore(%arg15 : memref<!tpu.dma_semaphore, #tpu.memory_space<semaphore_mem>>) src(%dma_wait3A_320 : memref<20832xi32, #tpu.memory_space<hbm>>) dst(%arg10 : memref<20832xi32, #tpu.memory_space<vmem>>)
    %scan3A_321 = arith.constant 0 : i32
    %scan3A_322 = arith.constant 0 : i32
    %scan3A_323 = arith.constant 1296 : i32
    %scan3A_324 = arith.addi %scan3A_322, %scan3A_323 : i32
    %scan3A_325 = arith.constant 8 : i32
    scf.for %scan3A_378 = %scan3A_322 to %scan3A_324 step %scan3A_325  : i32 {
      %add3A_379 = vector.broadcast %scan3A_378 : i32 to vector<16xi32>
      %add3A_380 = arith.addi %mul3A_22, %add3A_379 : vector<16xi32>
      %gather3A_381 = tpu.vector_load_idx %arg8[%add3A_380] : memref<20832xi32, #tpu.memory_space<vmem>>[vector<16xi32>], vector<16xi32>,
      %gather3A_382 = tpu.vector_load_idx %arg10[%add3A_380] : memref<20832xi32, #tpu.memory_space<vmem>>[vector<16xi32>], vector<16xi32>,
      %gather3A_383 = tpu.vector_load_idx %arg11[%gather3A_381] : memref<100xf32, #tpu.memory_space<vmem>>[vector<16xi32>], vector<16xf32>,
      tpu.vector_store_idx %arg6[%gather3A_382], %gather3A_383 {add = true} : memref<16384xf32, #tpu.memory_space<vmem>>[vector<16xi32>], vector<16xf32>,
      %scan3A_384 = arith.constant 1 : i32
      %scan3A_385 = arith.addi %scan3A_378, %scan3A_384 : i32
      %add3A_386 = vector.broadcast %scan3A_385 : i32 to vector<16xi32>
      %add3A_387 = arith.addi %mul3A_22, %add3A_386 : vector<16xi32>
      %gather3A_388 = tpu.vector_load_idx %arg8[%add3A_387] : memref<20832xi32, #tpu.memory_space<vmem>>[vector<16xi32>], vector<16xi32>,
      %gather3A_389 = tpu.vector_load_idx %arg10[%add3A_387] : memref<20832xi32, #tpu.memory_space<vmem>>[vector<16xi32>], vector<16xi32>,
      %gather3A_390 = tpu.vector_load_idx %arg11[%gather3A_388] : memref<100xf32, #tpu.memory_space<vmem>>[vector<16xi32>], vector<16xf32>,
      tpu.vector_store_idx %arg6[%gather3A_389], %gather3A_390 {add = true} : memref<16384xf32, #tpu.memory_space<vmem>>[vector<16xi32>], vector<16xf32>,
      %scan3A_391 = arith.constant 2 : i32
      %scan3A_392 = arith.addi %scan3A_378, %scan3A_391 : i32
      %add3A_393 = vector.broadcast %scan3A_392 : i32 to vector<16xi32>
      %add3A_394 = arith.addi %mul3A_22, %add3A_393 : vector<16xi32>
      %gather3A_395 = tpu.vector_load_idx %arg8[%add3A_394] : memref<20832xi32, #tpu.memory_space<vmem>>[vector<16xi32>], vector<16xi32>,
      %gather3A_396 = tpu.vector_load_idx %arg10[%add3A_394] : memref<20832xi32, #tpu.memory_space<vmem>>[vector<16xi32>], vector<16xi32>,
      %gather3A_397 = tpu.vector_load_idx %arg11[%gather3A_395] : memref<100xf32, #tpu.memory_space<vmem>>[vector<16xi32>], vector<16xf32>,
      tpu.vector_store_idx %arg6[%gather3A_396], %gather3A_397 {add = true} : memref<16384xf32, #tpu.memory_space<vmem>>[vector<16xi32>], vector<16xf32>,
      %scan3A_398 = arith.constant 3 : i32
      %scan3A_399 = arith.addi %scan3A_378, %scan3A_398 : i32
      %add3A_400 = vector.broadcast %scan3A_399 : i32 to vector<16xi32>
      %add3A_401 = arith.addi %mul3A_22, %add3A_400 : vector<16xi32>
      %gather3A_402 = tpu.vector_load_idx %arg8[%add3A_401] : memref<20832xi32, #tpu.memory_space<vmem>>[vector<16xi32>], vector<16xi32>,
      %gather3A_403 = tpu.vector_load_idx %arg10[%add3A_401] : memref<20832xi32, #tpu.memory_space<vmem>>[vector<16xi32>], vector<16xi32>,
      %gather3A_404 = tpu.vector_load_idx %arg11[%gather3A_402] : memref<100xf32, #tpu.memory_space<vmem>>[vector<16xi32>], vector<16xf32>,
      tpu.vector_store_idx %arg6[%gather3A_403], %gather3A_404 {add = true} : memref<16384xf32, #tpu.memory_space<vmem>>[vector<16xi32>], vector<16xf32>,
      %scan3A_405 = arith.constant 4 : i32
      %scan3A_406 = arith.addi %scan3A_378, %scan3A_405 : i32
      %add3A_407 = vector.broadcast %scan3A_406 : i32 to vector<16xi32>
      %add3A_408 = arith.addi %mul3A_22, %add3A_407 : vector<16xi32>
      %gather3A_409 = tpu.vector_load_idx %arg8[%add3A_408] : memref<20832xi32, #tpu.memory_space<vmem>>[vector<16xi32>], vector<16xi32>,
      %gather3A_410 = tpu.vector_load_idx %arg10[%add3A_408] : memref<20832xi32, #tpu.memory_space<vmem>>[vector<16xi32>], vector<16xi32>,
      %gather3A_411 = tpu.vector_load_idx %arg11[%gather3A_409] : memref<100xf32, #tpu.memory_space<vmem>>[vector<16xi32>], vector<16xf32>,
      tpu.vector_store_idx %arg6[%gather3A_410], %gather3A_411 {add = true} : memref<16384xf32, #tpu.memory_space<vmem>>[vector<16xi32>], vector<16xf32>,
      %scan3A_412 = arith.constant 5 : i32
      %scan3A_413 = arith.addi %scan3A_378, %scan3A_412 : i32
      %add3A_414 = vector.broadcast %scan3A_413 : i32 to vector<16xi32>
      %add3A_415 = arith.addi %mul3A_22, %add3A_414 : vector<16xi32>
      %gather3A_416 = tpu.vector_load_idx %arg8[%add3A_415] : memref<20832xi32, #tpu.memory_space<vmem>>[vector<16xi32>], vector<16xi32>,
      %gather3A_417 = tpu.vector_load_idx %arg10[%add3A_415] : memref<20832xi32, #tpu.memory_space<vmem>>[vector<16xi32>], vector<16xi32>,
      %gather3A_418 = tpu.vector_load_idx %arg11[%gather3A_416] : memref<100xf32, #tpu.memory_space<vmem>>[vector<16xi32>], vector<16xf32>,
      tpu.vector_store_idx %arg6[%gather3A_417], %gather3A_418 {add = true} : memref<16384xf32, #tpu.memory_space<vmem>>[vector<16xi32>], vector<16xf32>,
      %scan3A_419 = arith.constant 6 : i32
      %scan3A_420 = arith.addi %scan3A_378, %scan3A_419 : i32
      %add3A_421 = vector.broadcast %scan3A_420 : i32 to vector<16xi32>
      %add3A_422 = arith.addi %mul3A_22, %add3A_421 : vector<16xi32>
      %gather3A_423 = tpu.vector_load_idx %arg8[%add3A_422] : memref<20832xi32, #tpu.memory_space<vmem>>[vector<16xi32>], vector<16xi32>,
      %gather3A_424 = tpu.vector_load_idx %arg10[%add3A_422] : memref<20832xi32, #tpu.memory_space<vmem>>[vector<16xi32>], vector<16xi32>,
      %gather3A_425 = tpu.vector_load_idx %arg11[%gather3A_423] : memref<100xf32, #tpu.memory_space<vmem>>[vector<16xi32>], vector<16xf32>,
      tpu.vector_store_idx %arg6[%gather3A_424], %gather3A_425 {add = true} : memref<16384xf32, #tpu.memory_space<vmem>>[vector<16xi32>], vector<16xf32>,
      %scan3A_426 = arith.constant 7 : i32
      %scan3A_427 = arith.addi %scan3A_378, %scan3A_426 : i32
      %add3A_428 = vector.broadcast %scan3A_427 : i32 to vector<16xi32>
      %add3A_429 = arith.addi %mul3A_22, %add3A_428 : vector<16xi32>
      %gather3A_430 = tpu.vector_load_idx %arg8[%add3A_429] : memref<20832xi32, #tpu.memory_space<vmem>>[vector<16xi32>], vector<16xi32>,
      %gather3A_431 = tpu.vector_load_idx %arg10[%add3A_429] : memref<20832xi32, #tpu.memory_space<vmem>>[vector<16xi32>], vector<16xi32>,
      %gather3A_432 = tpu.vector_load_idx %arg11[%gather3A_430] : memref<100xf32, #tpu.memory_space<vmem>>[vector<16xi32>], vector<16xf32>,
      tpu.vector_store_idx %arg6[%gather3A_431], %gather3A_432 {add = true} : memref<16384xf32, #tpu.memory_space<vmem>>[vector<16xi32>], vector<16xf32>,
    }
    %scan3A_326 = arith.constant 1296 : i32
    %scan3A_327 = arith.addi %scan3A_322, %scan3A_326 : i32
    %add3A_328 = vector.broadcast %scan3A_327 : i32 to vector<16xi32>
    %add3A_329 = arith.addi %mul3A_22, %add3A_328 : vector<16xi32>
    %gather3A_330 = tpu.vector_load_idx %arg8[%add3A_329] : memref<20832xi32, #tpu.memory_space<vmem>>[vector<16xi32>], vector<16xi32>,
    %gather3A_331 = tpu.vector_load_idx %arg10[%add3A_329] : memref<20832xi32, #tpu.memory_space<vmem>>[vector<16xi32>], vector<16xi32>,
    %gather3A_332 = tpu.vector_load_idx %arg11[%gather3A_330] : memref<100xf32, #tpu.memory_space<vmem>>[vector<16xi32>], vector<16xf32>,
    tpu.vector_store_idx %arg6[%gather3A_331], %gather3A_332 {add = true} : memref<16384xf32, #tpu.memory_space<vmem>>[vector<16xi32>], vector<16xf32>,
    %scan3A_333 = arith.constant 1297 : i32
    %scan3A_334 = arith.addi %scan3A_322, %scan3A_333 : i32
    %add3A_335 = vector.broadcast %scan3A_334 : i32 to vector<16xi32>
    %add3A_336 = arith.addi %mul3A_22, %add3A_335 : vector<16xi32>
    %gather3A_337 = tpu.vector_load_idx %arg8[%add3A_336] : memref<20832xi32, #tpu.memory_space<vmem>>[vector<16xi32>], vector<16xi32>,
    %gather3A_338 = tpu.vector_load_idx %arg10[%add3A_336] : memref<20832xi32, #tpu.memory_space<vmem>>[vector<16xi32>], vector<16xi32>,
    %gather3A_339 = tpu.vector_load_idx %arg11[%gather3A_337] : memref<100xf32, #tpu.memory_space<vmem>>[vector<16xi32>], vector<16xf32>,
    tpu.vector_store_idx %arg6[%gather3A_338], %gather3A_339 {add = true} : memref<16384xf32, #tpu.memory_space<vmem>>[vector<16xi32>], vector<16xf32>,
    %scan3A_340 = arith.constant 1298 : i32
    %scan3A_341 = arith.addi %scan3A_322, %scan3A_340 : i32
    %add3A_342 = vector.broadcast %scan3A_341 : i32 to vector<16xi32>
    %add3A_343 = arith.addi %mul3A_22, %add3A_342 : vector<16xi32>
    %gather3A_344 = tpu.vector_load_idx %arg8[%add3A_343] : memref<20832xi32, #tpu.memory_space<vmem>>[vector<16xi32>], vector<16xi32>,
    %gather3A_345 = tpu.vector_load_idx %arg10[%add3A_343] : memref<20832xi32, #tpu.memory_space<vmem>>[vector<16xi32>], vector<16xi32>,
    %gather3A_346 = tpu.vector_load_idx %arg11[%gather3A_344] : memref<100xf32, #tpu.memory_space<vmem>>[vector<16xi32>], vector<16xf32>,
    tpu.vector_store_idx %arg6[%gather3A_345], %gather3A_346 {add = true} : memref<16384xf32, #tpu.memory_space<vmem>>[vector<16xi32>], vector<16xf32>,
    %scan3A_347 = arith.constant 1299 : i32
    %scan3A_348 = arith.addi %scan3A_322, %scan3A_347 : i32
    %add3A_349 = vector.broadcast %scan3A_348 : i32 to vector<16xi32>
    %add3A_350 = arith.addi %mul3A_22, %add3A_349 : vector<16xi32>
    %gather3A_351 = tpu.vector_load_idx %arg8[%add3A_350] : memref<20832xi32, #tpu.memory_space<vmem>>[vector<16xi32>], vector<16xi32>,
    %gather3A_352 = tpu.vector_load_idx %arg10[%add3A_350] : memref<20832xi32, #tpu.memory_space<vmem>>[vector<16xi32>], vector<16xi32>,
    %gather3A_353 = tpu.vector_load_idx %arg11[%gather3A_351] : memref<100xf32, #tpu.memory_space<vmem>>[vector<16xi32>], vector<16xf32>,
    tpu.vector_store_idx %arg6[%gather3A_352], %gather3A_353 {add = true} : memref<16384xf32, #tpu.memory_space<vmem>>[vector<16xi32>], vector<16xf32>,
    %scan3A_354 = arith.constant 1300 : i32
    %scan3A_355 = arith.addi %scan3A_322, %scan3A_354 : i32
    %add3A_356 = vector.broadcast %scan3A_355 : i32 to vector<16xi32>
    %add3A_357 = arith.addi %mul3A_22, %add3A_356 : vector<16xi32>
    %gather3A_358 = tpu.vector_load_idx %arg8[%add3A_357] : memref<20832xi32, #tpu.memory_space<vmem>>[vector<16xi32>], vector<16xi32>,
    %gather3A_359 = tpu.vector_load_idx %arg10[%add3A_357] : memref<20832xi32, #tpu.memory_space<vmem>>[vector<16xi32>], vector<16xi32>,
    %gather3A_360 = tpu.vector_load_idx %arg11[%gather3A_358] : memref<100xf32, #tpu.memory_space<vmem>>[vector<16xi32>], vector<16xf32>,
    tpu.vector_store_idx %arg6[%gather3A_359], %gather3A_360 {add = true} : memref<16384xf32, #tpu.memory_space<vmem>>[vector<16xi32>], vector<16xf32>,
    %scan3A_361 = arith.constant 1301 : i32
    %scan3A_362 = arith.addi %scan3A_322, %scan3A_361 : i32
    %add3A_363 = vector.broadcast %scan3A_362 : i32 to vector<16xi32>
    %add3A_364 = arith.addi %mul3A_22, %add3A_363 : vector<16xi32>
    %gather3A_365 = tpu.vector_load_idx %arg8[%add3A_364] : memref<20832xi32, #tpu.memory_space<vmem>>[vector<16xi32>], vector<16xi32>,
    %gather3A_366 = tpu.vector_load_idx %arg10[%add3A_364] : memref<20832xi32, #tpu.memory_space<vmem>>[vector<16xi32>], vector<16xi32>,
    %gather3A_367 = tpu.vector_load_idx %arg11[%gather3A_365] : memref<100xf32, #tpu.memory_space<vmem>>[vector<16xi32>], vector<16xf32>,
    tpu.vector_store_idx %arg6[%gather3A_366], %gather3A_367 {add = true} : memref<16384xf32, #tpu.memory_space<vmem>>[vector<16xi32>], vector<16xf32>,
    %scan3A_368 = arith.constant 1302 : i32
    %add3A_369 = arith.constant 125000 : i32
    %add3A_370 = arith.addi %mul3A_2, %add3A_369 : i32
    %sub3A = arith.constant 16 : i32
    %sub3A_371 = arith.subi %add3A_370, %sub3A : i32
    "tpu.region"() ({
      %run_scoped3A_378 = tpu.sem_alloc : memref<!tpu.dma_semaphore, #tpu.memory_space<semaphore_mem>>
      %dma_start3A_379 = tpu.memref_slice %arg2[%sub3A_371] : memref<4000000xi32, #tpu.memory_space<hbm>> -> memref<16xi32, #tpu.memory_space<hbm>>
      %dma_start3A_380 = tpu.memref_slice %arg2[%sub3A_371] : memref<4000000xi32, #tpu.memory_space<hbm>> -> memref<16xi32, #tpu.memory_space<hbm>>
      tpu.enqueue_dma source(%dma_start3A_380 : memref<16xi32, #tpu.memory_space<hbm>>) target(%arg12 : memref<16xi32, #tpu.memory_space<vmem>>) target_semaphore(%run_scoped3A_378 : memref<!tpu.dma_semaphore, #tpu.memory_space<semaphore_mem>>)
      %dma_wait3A_381 = tpu.memref_slice %arg2[%sub3A_371] : memref<4000000xi32, #tpu.memory_space<hbm>> -> memref<16xi32, #tpu.memory_space<hbm>>
      %dma_wait3A_382 = tpu.memref_slice %arg2[%sub3A_371] : memref<4000000xi32, #tpu.memory_space<hbm>> -> memref<16xi32, #tpu.memory_space<hbm>>
      tpu.wait_dma2 semaphore(%run_scoped3A_378 : memref<!tpu.dma_semaphore, #tpu.memory_space<semaphore_mem>>) src(%dma_wait3A_382 : memref<16xi32, #tpu.memory_space<hbm>>) dst(%arg12 : memref<16xi32, #tpu.memory_space<vmem>>)
      tpu.yield
    }) : () -> ()
    "tpu.region"() ({
      %run_scoped3A_378 = tpu.sem_alloc : memref<!tpu.dma_semaphore, #tpu.memory_space<semaphore_mem>>
      %dma_start3A_379 = tpu.memref_slice %arg3[%sub3A_371] : memref<4000000xi32, #tpu.memory_space<hbm>> -> memref<16xi32, #tpu.memory_space<hbm>>
      %dma_start3A_380 = tpu.memref_slice %arg3[%sub3A_371] : memref<4000000xi32, #tpu.memory_space<hbm>> -> memref<16xi32, #tpu.memory_space<hbm>>
      tpu.enqueue_dma source(%dma_start3A_380 : memref<16xi32, #tpu.memory_space<hbm>>) target(%arg13 : memref<16xi32, #tpu.memory_space<vmem>>) target_semaphore(%run_scoped3A_378 : memref<!tpu.dma_semaphore, #tpu.memory_space<semaphore_mem>>)
      %dma_wait3A_381 = tpu.memref_slice %arg3[%sub3A_371] : memref<4000000xi32, #tpu.memory_space<hbm>> -> memref<16xi32, #tpu.memory_space<hbm>>
      %dma_wait3A_382 = tpu.memref_slice %arg3[%sub3A_371] : memref<4000000xi32, #tpu.memory_space<hbm>> -> memref<16xi32, #tpu.memory_space<hbm>>
      tpu.wait_dma2 semaphore(%run_scoped3A_378 : memref<!tpu.dma_semaphore, #tpu.memory_space<semaphore_mem>>) src(%dma_wait3A_382 : memref<16xi32, #tpu.memory_space<hbm>>) dst(%arg13 : memref<16xi32, #tpu.memory_space<vmem>>)
      tpu.yield
    }) : () -> ()
    %get3A = arith.constant 0 : index
    %get3A_372 = tpu.vector_load %arg12[%get3A] {strides = array<i32>} : memref<16xi32, #tpu.memory_space<vmem>>, vector<16xi32>,
    %gather3A_373 = tpu.vector_load_idx %arg11[%get3A_372] : memref<100xf32, #tpu.memory_space<vmem>>[vector<16xi32>], vector<16xf32>,
    %get3A_374 = arith.constant 0 : index
    %get3A_375 = tpu.vector_load %arg13[%get3A_374] {strides = array<i32>} : memref<16xi32, #tpu.memory_space<vmem>>, vector<16xi32>,
    %ge3A = arith.constant 8 : i32
    %ge3A_376 = vector.broadcast %ge3A : i32 to vector<16xi32>
    %ge3A_377 = arith.cmpi sge, %iota3A, %ge3A_376 : vector<16xi32>
    tpu.vector_store_idx %arg6[%get3A_375], %gather3A_373 masked %ge3A_377 {add = true} : memref<16384xf32, #tpu.memory_space<vmem>>[vector<16xi32>], vector<16xf32>, vector<16xi1>
    "tpu.region"() ({
      %run_scoped3A_378 = tpu.sem_alloc : memref<!tpu.dma_semaphore, #tpu.memory_space<semaphore_mem>>
      %dma_start3A_379 = arith.constant 0 : i32
      %dma_start3A_380 = tpu.memref_slice %arg5[%add3A, %dma_start3A_379] : memref<32x16384xf32, #tpu.memory_space<hbm>> -> memref<1x16384xf32, #tpu.memory_space<hbm>>
      %dma_start3A_381 = tpu.memref_squeeze %dma_start3A_380 : memref<1x16384xf32, #tpu.memory_space<hbm>> -> memref<16384xf32, #tpu.memory_space<hbm>>
      %dma_start3A_382 = arith.constant 0 : i32
      %dma_start3A_383 = tpu.memref_slice %arg5[%add3A, %dma_start3A_382] : memref<32x16384xf32, #tpu.memory_space<hbm>> -> memref<1x16384xf32, #tpu.memory_space<hbm>>
      %dma_start3A_384 = tpu.memref_squeeze %dma_start3A_383 : memref<1x16384xf32, #tpu.memory_space<hbm>> -> memref<16384xf32, #tpu.memory_space<hbm>>
      tpu.enqueue_dma source(%arg6 : memref<16384xf32, #tpu.memory_space<vmem>>) target(%dma_start3A_384 : memref<16384xf32, #tpu.memory_space<hbm>>) target_semaphore(%run_scoped3A_378 : memref<!tpu.dma_semaphore, #tpu.memory_space<semaphore_mem>>)
      %dma_wait3A_385 = arith.constant 0 : i32
      %dma_wait3A_386 = tpu.memref_slice %arg5[%add3A, %dma_wait3A_385] : memref<32x16384xf32, #tpu.memory_space<hbm>> -> memref<1x16384xf32, #tpu.memory_space<hbm>>
      %dma_wait3A_387 = tpu.memref_squeeze %dma_wait3A_386 : memref<1x16384xf32, #tpu.memory_space<hbm>> -> memref<16384xf32, #tpu.memory_space<hbm>>
      %dma_wait3A_388 = arith.constant 0 : i32
      %dma_wait3A_389 = tpu.memref_slice %arg5[%add3A, %dma_wait3A_388] : memref<32x16384xf32, #tpu.memory_space<hbm>> -> memref<1x16384xf32, #tpu.memory_space<hbm>>
      %dma_wait3A_390 = tpu.memref_squeeze %dma_wait3A_389 : memref<1x16384xf32, #tpu.memory_space<hbm>> -> memref<16384xf32, #tpu.memory_space<hbm>>
      tpu.wait_dma2 semaphore(%run_scoped3A_378 : memref<!tpu.dma_semaphore, #tpu.memory_space<semaphore_mem>>) src(%arg6 : memref<16384xf32, #tpu.memory_space<vmem>>) dst(%dma_wait3A_390 : memref<16384xf32, #tpu.memory_space<hbm>>)
      tpu.yield
    }) : () -> ()
    return
  }
}

module attributes {stable_mosaic.version = 14 : i64} {
  func.func @body(%arg0: i32, %arg1: memref<32x2048xf32, #tpu.memory_space<vmem>>, %arg2: memref<1x2048xf32, #tpu.memory_space<vmem>>) attributes {dimension_semantics = [#tpu.dimension_semantics<arbitrary>], iteration_bounds = array<i64: 8>, scalar_prefetch = 0 : i64, scratch_operands = 0 : i64, tpu.core_type = #tpu.core_type<tc>, window_params = [{transform_indices = @transform_0, window_bounds = array<i64: 32, 2048>}, {transform_indices = @transform_1, window_bounds = array<i64: 1, 2048>}]} {
    %get3A = arith.constant 0 : index
    %get3A_0 = arith.constant 0 : index
    %get3A_1 = vector.load %arg1[%get3A, %get3A_0] : memref<32x2048xf32, #tpu.memory_space<vmem>>, vector<32x2048xf32>
    %reduce_sum3A = arith.constant dense<0.000000e+00> : vector<2048xf32>
    %reduce_sum3A_2 = vector.multi_reduction <add>, %get3A_1, %reduce_sum3A [0] : vector<32x2048xf32> to vector<2048xf32>
    %broadcast_in_dim3A = vector.shape_cast %reduce_sum3A_2 : vector<2048xf32> to vector<1x2048xf32>
    %swap3A = arith.constant 0 : index
    %swap3A_3 = arith.constant 0 : index
    %swap3A_4 = vector.load %arg2[%swap3A, %swap3A_3] : memref<1x2048xf32, #tpu.memory_space<vmem>>, vector<1x2048xf32>
    tpu.vector_store %arg2[%swap3A, %swap3A_3], %broadcast_in_dim3A {strides = array<i32>} : memref<1x2048xf32, #tpu.memory_space<vmem>>, vector<1x2048xf32>,
    return
  }
  func.func @transform_0(%arg0: i32) -> (i32, i32) {
    %c0_i32 = arith.constant 0 : i32
    %c0_i32_0 = arith.constant 0 : i32
    return %c0_i32, %arg0 : i32, i32
  }
  func.func @transform_1(%arg0: i32) -> (i32, i32) {
    %c0_i32 = arith.constant 0 : i32
    %c0_i32_0 = arith.constant 0 : i32
    return %c0_i32, %arg0 : i32, i32
  }
}

</mosaic_0001>

<sc_bundles>
// kernel: kernel.4.cloned.1.call-start
scs
__scs_entry_jumppad:
0x0: {  	(pc) =	sbr.rel $0x88, $3  }
0x1: {  	(tag) =	ssettag $0x0;
	lr =	simm.s32 $0x1  }
0x2: {  	[smem:$0x3F9E] =	sst lr;
	_ =	strace $0xD0000000  }
0x3: {  	_ = 	snop  }
0x4: {  	_ = 	snop  }
0x5: {  	_ = 	snop  }
0x6: {  	_ = 	snop  }
0x7: {  	_ = 	snop  }
__scs_overlays_trampoline_lowered:
0x8: {  	[smem:$0x3FAD] =	sst s0  }
0x9: {  	[smem:$0x3FAE] =	sst s1  }
0xa: {  	[smem:$0x3FAF] =	sst s2  }
0xb: {  	[smem:$0x3FB0] =	sst s3  }
0xc: {  	[smem:$0x3FB1] =	sst s4  }
0xd: {  	[smem:$0x3FB2] =	sst s5  }
0xe: {  	[smem:$0x3FB3] =	sst s6  }
0xf: {  	[smem:$0x3FB4] =	sst s7  }
0x10: {  	[smem:$0x3FB5] =	sst s8  }
0x11: {  	[smem:$0x3FB6] =	sst s9;
	s0 =	simm.s32 @!p0 $0x0  }
0x12: {  	s1 =	sld [smem:$0x3F9C];
	s0 =	simm.s32 @p0 $0x1  }
0x13: {  	[smem:$0x3FB7] =	sst s0;
	s0 =	simm.s32 @!p1 $0x0  }
0x14: {  	s2 =	sld [smem:$0x3F9B];
	s0 =	simm.s32 @p1 $0x1  }
0x15: {  	[smem:$0x3FB8] =	sst s0;
	s0 =	simm.s32 @!p2 $0x0  }
0x16: {  	s3 =	sld [smem:$0x3FDB];
	s0 =	simm.s32 @p2 $0x1  }
0x17: {  	s4 =	simm.s32 $0x1BF5;
	[smem:$0x3FBA] =	sst s0  }
0x18: {  	s0 =	sld [smem:$0x3F9D];
	_ =	swait.ge [sflag:s4], $0x0  }
0x19: {  	s7 =	sld [smem:$0x3F9E]  }
0x1a: {  	s8 =	sadd.s32 $0xFFFFE003, lr  }
0x1b: {  	s9 =	sadd.s32 $0xFFFFFEF7, lr;
	s5 =	simm.s32 $0xFFFFFFFF;
	p2 =	slt.u32 s8, $0xFFFFF086  }
0x1c: {  	p1 =	slt.u32 s9, $0xF7A;
	s5 =	simm.s32 @!p2 $0x0  }
0x1d: {  	s5 =	simm.s32 @p1 $0x1;
	p0 =	seq.s32 s7, s2  }
0x1e: {  	s7 =	smul.u32 @!p0 $0xF7A, s2;
	p2 =	seq.s32 @!p0 s5, $0x0  }
0x1f: {  	s9 =	smul.u32 $0xF7A, s1;
	s8 =	simm.s32 @!p0 $0x1BF5;
	p2 =	por !p2, p0  }
0x20: {  	[sflag:s8] =	ssyncset.s32 @!p0 $0xFFFFF086;
	s6 =	sadd.s32 @!p0 s3, s7;
	s7 =	simm.s32 @!p0 $0x108  }
0x21: {  	s3 =	sadd.s32 s3, s9;
	s6 =	sadd.s32 @!p0 $0x88, s6;
	s7 =	simm.s32 @p2 $0x1082  }
0x22: {  	[simem:s7], [sflag:s8] =	dma.local @!p0 [hbm:s6], $0xF7A  }
0x23: {  	s9 =	sor.u32 $0xD0000000, s2;
	s6 =	simm.s32 $0x108;
	_ =	swait.ge @!p0 [sflag:s8], $0x0  }
0x24: {  	s3 =	sadd.s32 $0x88, s3;
	s6 =	simm.s32 @!p1 $0x1082;
	[sflag:s4] =	ssyncset.s32 $0xFFFFF086  }
0x25: {  	[simem:s6], [sflag:s4] =	dma.local [hbm:s3], $0xF7A  }
0x26: {  	[smem:$0x3F9E] =	sst s1;
	(tag) =	ssettag s2;
	_ =	strace s9  }
0x27: {  	s1 =	sld [smem:$0x3FAE]  }
0x28: {  	s2 =	sld [smem:$0x3FAF]  }
0x29: {  	s4 =	sld [smem:$0x3FB1]  }
0x2a: {  	p0 =	seq.s32 s5, $0x0;
	s5 =	sld [smem:$0x3FB2]  }
0x2b: {  	s6 =	sld [smem:$0x3FB3]  }
0x2c: {  	s7 =	sld [smem:$0x3FB4]  }
0x2d: {  	s3 =	simm.s32 $0x108;
	s8 =	sld [smem:$0x3FB5]  }
0x2e: {  	s3 =	simm.s32 @!p0 $0x1082;
	s9 =	sld [smem:$0x3FB6]  }
0x2f: {  	lr =	sadd.s32 s0, s3;
	s0 =	sld [smem:$0x3FAD]  }
0x30: {  	s3 =	sld [smem:$0x3FB0]  }
0x31: {  	[smem:$0x3FB9] =	sst s10  }
0x32: {  	s10 =	sld [smem:$0x3FB7];
	_ =	sdelay $0x3  }
0x33: {  	p0 =	seq.s32 s10, $0x1;
	s10 =	sld [smem:$0x3FB9];
	_ =	sdelay $0x3  }
0x34: {  	[smem:$0x3FB9] =	sst s10  }
0x35: {  	s10 =	sld [smem:$0x3FB8];
	_ =	sdelay $0x3  }
0x36: {  	p1 =	seq.s32 s10, $0x1;
	s10 =	sld [smem:$0x3FB9];
	_ =	sdelay $0x3  }
0x37: {  	[smem:$0x3FB9] =	sst s10  }
0x38: {  	s10 =	sld [smem:$0x3FBA]  }
0x39: {  	_ = 	snop;
	(pc) =	sbr.ind lr, $3  }
0x3a: {  	_ = 	snop  }
0x3b: {  	_ = 	snop  }
0x3c: {  	p2 =	seq.s32 s10, $0x1;
	s10 =	sld [smem:$0x3FB9]  }
0x3d: {  	_ =	shalt  }
0x3e: {  	_ =	shalt  }
0x3f: {  	_ =	shalt  }
0x40: {  	_ =	shalt  }
0x41: {  	_ =	shalt  }
0x42: {  	_ =	shalt  }
0x43: {  	_ =	shalt  }
0x44: {  	_ =	shalt  }
0x45: {  	_ =	shalt  }
0x46: {  	_ =	shalt  }
0x47: {  	_ =	shalt  }
0x48: {  	_ =	shalt  }
0x49: {  	_ =	shalt  }
0x4a: {  	_ =	shalt  }
0x4b: {  	_ =	shalt  }
0x4c: {  	_ =	shalt  }
0x4d: {  	_ =	shalt  }
0x4e: {  	_ =	shalt  }
0x4f: {  	_ =	shalt  }
0x50: {  	_ =	shalt  }
0x51: {  	_ =	shalt  }
0x52: {  	_ =	shalt  }
0x53: {  	_ =	shalt  }
0x54: {  	_ =	shalt  }
0x55: {  	_ =	shalt  }
0x56: {  	_ =	shalt  }
0x57: {  	_ =	shalt  }
0x58: {  	_ =	shalt  }
0x59: {  	_ =	shalt  }
0x5a: {  	_ =	shalt  }
0x5b: {  	_ =	shalt  }
0x5c: {  	_ =	shalt  }
0x5d: {  	_ =	shalt  }
0x5e: {  	_ =	shalt  }
0x5f: {  	_ =	shalt  }
0x60: {  	_ =	shalt  }
0x61: {  	_ =	shalt  }
0x62: {  	_ =	shalt  }
0x63: {  	_ =	shalt  }
0x64: {  	_ =	shalt  }
0x65: {  	_ =	shalt  }
0x66: {  	_ =	shalt  }
0x67: {  	_ =	shalt  }
0x68: {  	_ =	shalt  }
0x69: {  	_ =	shalt  }
0x6a: {  	_ =	shalt  }
0x6b: {  	_ =	shalt  }
0x6c: {  	_ =	shalt  }
0x6d: {  	_ =	shalt  }
0x6e: {  	_ =	shalt  }
0x6f: {  	_ =	shalt  }
0x70: {  	_ =	shalt  }
0x71: {  	_ =	shalt  }
0x72: {  	_ =	shalt  }
0x73: {  	_ =	shalt  }
0x74: {  	_ =	shalt  }
0x75: {  	_ =	shalt  }
0x76: {  	_ =	shalt  }
0x77: {  	_ =	shalt  }
0x78: {  	_ =	shalt  }
0x79: {  	_ =	shalt  }
0x7a: {  	_ =	shalt  }
0x7b: {  	_ =	shalt  }
0x7c: {  	_ =	shalt  }
0x7d: {  	_ =	shalt  }
0x7e: {  	_ =	shalt  }
0x7f: {  	_ =	shalt  }
0x80: {  	_ =	shalt  }
0x81: {  	_ =	shalt  }
0x82: {  	_ =	shalt  }
0x83: {  	_ =	shalt  }
0x84: {  	_ =	shalt  }
0x85: {  	_ =	shalt  }
0x86: {  	_ =	shalt  }
0x87: {  	_ =	shalt  }
.Lfunc_end0:
.L_simem_size_0:
called_computation_lowered:
.L_overlay_start_0:
0x88: {  	s2 =	sld [smem:$0x3FD9]  }
0x89: {  	s3 =	sld [smem:$0x3FFE];
	_ =	sdelay $0x1  }
0x8a: {  	s1 =	srdreg.scid  }
0x8b: {  	s0 =	sand.u32 $0x1, s1  }
0x8c: {  	s17 =	sshll.u32 s0, $0xA;
	s2 =	sadd.s32 s3, s2  }
0x8d: {  	s2 =	sadd.s32 s2, s17  }
0x8e: {  	[smem:$0x3FC5] =	sst s2  }
0x8f: {  	_ = 	snop  }
0x90: {  	s2 =	sld [smem:$0x3FC9]  }
0x91: {  	s18 =	sld [smem:$0x3FC8]  }
0x92: {  	s4 =	sld [smem:$0x3FC7];
	(tm) =	ssettm $0x1  }
0x93: {  	s5 =	sld [smem:$0x3FFB];
	_ =	sdelay $0x3  }
0x94: {  	_ =	strace s5  }
0x95: {  	s5 =	sld [smem:$0x3FFC];
	_ =	sdelay $0x3  }
0x96: {  	_ =	strace s5  }
0x97: {  	s5 =	sld [smem:$0x3FFD];
	_ =	sdelay $0x3  }
0x98: {  	_ =	strace s5  }
0x99: {  	_ =	strace $0x8FFFFFFF  }
0x9a: {  	s19 =	sld [smem:$0x3FDB];
	_ =	sdelay $0x1  }
0x9b: {  	s6 =	simm.s32 $_scs_section_size  }
0x9c: {  	s7 =	simm.s32 $_size__tile_overlayer_lowered;
	s8 =	simm.s32 $_tile_overlayer_lowered  }
0x9d: {  	s22 =	simm.s32 $0x1BFF;
	s21 =	sshll.u32 s8, $0x1;
	s5 =	sadd.s32 s6, s19  }
0x9e: {  	s9 =	simm.s32 $0x0;
	s20 =	sshll.u32 s7, $0x1;
	s7 =	sadd.s32 s21, s5  }
0x9f: {  	[timem:s9], [sflag:s22] =	dma.local [hbm:s7], s20  }
0xa0: {  	_ =	swait.ge [sflag:s22], s20  }
0xa1: {  	s6 =	ssub.s32 $0x0, s20;
	[sflag:s22] =	ssyncset.done $0x0  }
0xa2: {  	[sflag:s22] =	ssyncadd.s32 s6;
	_ =	sdelay $0x1  }
0xa3: {  	s23 =	simm.s32 $0x1B8B  }
0xa4: {  	_ =	swait.ge [sflag:s23], $0x1  }
0xa5: {  	[sflag:s23] =	ssyncset.done $0x0  }
0xa6: {  	s25 =	simm.s32 $0x1B8E;
	s24 =	sld [smem:$0x3FFE];
	[sflag:s23] =	ssyncadd.s32 $0xFFFFFFFF  }
0xa7: {  	s26 =	simm.s32 $execute0_lowered;
	[smem:$0x3FD2] =	sst s25  }
0xa8: {  	s7 =	sshll.u32 s26, $0x1;
	_ =	strace $0x80000046;
	[dreg:$0x1] =	wrdreg $0xFFFFFFFF  }
0xa9: {  	s28 =	simm.s32 $_size_execute0_lowered;
	s5 =	sadd.s32 s5, s7;
	[dreg:$0x0] =	wrdreg $0x0  }
0xaa: {  	s7 =	sshll.u32 s28, $0x1;
	[dreg:$0x2] =	wrdreg s5  }
0xab: {  	[dreg:$0x3] =	wrdreg s7  }
0xac: {  	[dreg:$0x4] =	wrdreg $0xC0  }
0xad: {  	_ =	task [dreg:s9], $0x5FFFF  }
0xae: {  	[dreg:$0x1] =	wrdreg $0xFFFFFFFF  }
0xaf: {  	[dreg:$0x0] =	wrdreg $0x60  }
0xb0: {  	[dreg:$0x2] =	wrdreg s2  }
0xb1: {  	[dreg:$0x3] =	wrdreg s18  }
0xb2: {  	[dreg:$0x4] =	wrdreg s4  }
0xb3: {  	[dreg:$0x5] =	wrdreg s24  }
0xb4: {  	[dreg:$0x6] =	wrdreg $0x9  }
0xb5: {  	_ =	task.clear_ibuf [dreg:s9], $0x7FFFF;
	_ =	strace $0x90000046  }
0xb6: {  	s29 =	simm.s32 $0x9;
	_ =	strace $0x80000048  }
0xb7: {  	_ =	swait.ge [sflag:s29], $0x1  }
0xb8: {  	[sflag:s29] =	ssyncadd.s32 $0xFFFFFFFF  }
0xb9: {  	_ =	strace $0x90000048  }
0xba: {  	_ =	sfence  }
0xbb: {  	s30 =	sld [smem:$0x0];
	_ =	sdelay $0x2  }
0xbc: {  	s31 =	sshll.u32 s1, $0xD;
	s1 =	sshrl.u32 s1, $0x2  }
0xbd: {  	s3 =	sand.u32 $0x4000, s31;
	s1 =	sadd.s32 s1, s30  }
0xbe: {  	s0 =	sor.u32 s3, s0;
	s1 =	sshll.u32 s1, $0x11  }
0xbf: {  	s0 =	sor.u32 s1, s0  }
0xc0: {  	s0 =	sadd.s32 $0x8F2B, s0  }
0xc1: {  	[sflag:s0] =	ssyncadd.remote.s32 $0x1  }
0xc2: {  	_ =	sfence.sel $0xFFFF  }
0xc3: {  	[dreg:$0x0] =	wrdreg $0xFFFFFFFF;
	(pc) =	sbr.abs _section_cstart, $3  }
0xc4: {  	[dreg:$0x1] =	wrdreg $0xFFFFFFFF  }
0xc5: {  	_ =	task.clear_ibuf [dreg:s9], $0x2FFFF;
	_ =	strace $0x9FFFFFFF  }
0xc6: {  	(tm) =	ssettm $0x7FFFFFFF  }
0xc7: {  	_ =	shalt  }
tec
execute0_lowered:
.L_overlay_start_1:
0x0: {  	(tag) =	ssettag $0x1  }
0x1: {  	s0 =	rddreg [dreg:$0x0]  }
0x2: {  	s1 =	rddreg [dreg:$0x1]  }
0x3: {  	s2 =	rddreg [dreg:$0x3]  }
0x4: {  	s3 =	srdreg.scid;
	s6 =	stileid.u32;
	s20 =	simm.s32 $0x4000  }
0x5: {  	s21 =	simm.s32 $0xE300;
	s22 =	simm.s32 $0x9180;
	s23 =	simm.s32 $0x13480  }
0x6: {  	s28 =	simm.s32 $0x2;
	s30 =	simm.s32 $0x18700;
	s31 =	simm.s32 $0x80  }
0x7: {  	s4 =	sand.u32 $0x1, s3;
	s3 =	simm.s32 $0x0;
	s24 =	sshll.u32 s6, $0x4  }
0x8: {  	s5 =	sshll.u32 s4, $0x4;
	[smem:$0x7FF] =	sst s3;
	s4 =	ssub.s32 $0x2, s4  }
0x9: {  	s15 =	sor.u32 s6, s5;
	_ =	strace $0x80000047;
	s5 =	sand.u32 $0x70, s24  }
0xa: {  	s25 =	sshrl.u32 s4, $0x1;
	s24 =	simm.s32 $0x18600;
	s16 =	smul.u32 $0x1E848, s15  }
0xb: {  	s2 =	sadd.s32 s5, s2;
	s19 =	ssub.s32 s4, s25;
	s18 =	sshll.u32 s15, $0xB  }
0xc: {  	s25 =	simm.s32 $0x3;
	s18 =	sand.u32 $0xC000, s18;
	s19 =	smax.u32 s19, $0x1  }
0xd: {  	s14 =	sshrl.u32 s16, $0x3;
	s16 =	sadd.s32 $0x1E838, s16;
	s29 =	sadd.s32 s18, s2  }
0xe: {  	s2 =	simm.s32 $0x0;
	s4 =	sadd.s32 s0, s14;
	s5 =	sadd.s32 s1, s14  }
0xf: {  	s7 =	sadd.s32 $0xA2C, s14;
	s9 =	sadd.s32 $0x1458, s14;
	s11 =	sadd.s32 $0x1E84, s14  }
0x10: {  	s13 =	sadd.s32 $0x28B0, s14;
	s17 =	sadd.s32 $0x32DC, s14;
	s26 =	sshrl.u32 s16, $0x3  }
0x11: {  	v0 =	vlaneseq.u32;
	s18 =	sadd.s32 $0x600, s29;
	s6 =	sadd.s32 s0, s7;
	s7 =	sadd.s32 s1, s7  }
0x12: {  	v0 =	vmul.u32 $0x516, v0;
	s8 =	sadd.s32 s0, s9;
	s9 =	sadd.s32 s1, s9;
	s10 =	sadd.s32 s0, s11  }
0x13: {  	v1 =	vimm.f32 $0.0e+00;
	vm0 =	vcmask $0x3F20;
	s11 =	sadd.s32 s1, s11;
	s12 =	sadd.s32 s0, s13;
	s13 =	sadd.s32 s1, s13  }
0x14: {  	v2 =	vadd.s32 $0x510, v0;
	v3 =	vadd.s32 $0x511, v0;
	v4 =	vadd.s32 $0x512, v0;
	s14 =	sadd.s32 s0, s17;
	s15 =	sadd.s32 s1, s17;
	s16 =	sadd.s32 s0, s26  }
0x15: {  	v5 =	vadd.s32 $0x513, v0;
	v6 =	vadd.s32 $0x514, v0;
	v7 =	vadd.s32 $0x515, v0;
	s17 =	sadd.s32 s1, s26;
	s26 =	simm.s32 $0x1;
	s0 =	simm.s32 $0x400  }
.LBB2_1:
0x16: {  	[tilespmem:s20], [sflag:$0x1] =	stream.linear.gather [hbm4b:s4+s3], $0x5160, $0x38;
	[tilespmem:$0x18780] =	vst v63  }
0x17: {  	_ = 	snop  }
0x18: {  	[tilespmem:s21], [sflag:$0x1] =	stream.linear.gather [hbm4b:s5+s3], $0x5160, $0x38;
	[tilespmem:$0x18780] =	vst v63  }
0x19: {  	_ = 	snop  }
0x1a: {  	[tilespmem:s22], [sflag:$0x2] =	stream.linear.gather [hbm4b:s6+s3], $0x5160, $0x38;
	[tilespmem:$0x18780] =	vst v63  }
0x1b: {  	_ = 	snop  }
0x1c: {  	[tilespmem:s23], [sflag:$0x2] =	stream.linear.gather [hbm4b:s7+s3], $0x5160, $0x38;
	[tilespmem:$0x18780] =	vst v63  }
0x1d: {  	s1 =	rddreg [dreg:$0x2]  }
0x1e: {  	[tilespmem:s24], [sflag:$0x3] =	stream.linear.gather [hbm4b:s1+s3], $0x80, $0x38;
	[tilespmem:$0x18780] =	vst v63  }
0x1f: {  	_ =	swait.ge [sflag:s25], $0x80  }
0x20: {  	[sflag:s25] =	ssyncset.done $0x0  }
0x21: {  	s1 =	simm.s32 $0x40;
	[sflag:s25] =	ssyncadd.s32 $0xFFFFFF80  }
0x22: {  	[tilespmem:s1+$0xFFFFFFC0] =	vst v1  }
0x23: {  	[tilespmem:s1+$0x30] =	vst v1  }
0x24: {  	[tilespmem:s1+$0x20] =	vst v1  }
0x25: {  	[tilespmem:s1+$0x10] =	vst v1  }
0x26: {  	[tilespmem:s1+$0x0] =	vst v1  }
0x27: {  	[tilespmem:s1+$0xFFFFFFF0] =	vst v1  }
0x28: {  	s29 =	simm.s32 $0x0;
	[tilespmem:s1+$0xFFFFFFE0] =	vst v1  }
.LBB2_2:
0x29: {  	s29 =	sadd.s32 $0x8, s29;
	[tilespmem:s1+$0xFFFFFFD0] =	vst v1;
	s1 =	sadd.s32 $0x80, s1  }
0x2a: {  	[tilespmem:s1+$0xFFFFFFC0] =	vst v1;
	p0 =	slt.u32 s29, $0x3F8  }
0x2b: {  	[tilespmem:s1+$0x30] =	vst v1  }
.Ltmp0:
0x2c: {  	[tilespmem:s1+$0x20] =	vst v1;
	(pc) =	sbr.rel @p0 .LBB2_2-.Ltmp0, $4  }
0x2d: {  	[tilespmem:s1+$0x10] =	vst v1  }
0x2e: {  	[tilespmem:s1+$0x0] =	vst v1  }
0x2f: {  	[tilespmem:s1+$0xFFFFFFF0] =	vst v1  }
0x30: {  	[tilespmem:s1+$0xFFFFFFE0] =	vst v1  }
0x31: {  	[tilespmem:s1+$0xFFFFFFD0] =	vst v1  }
0x32: {  	_ =	swait.ge [sflag:s26], $0x5160  }
0x33: {  	[sflag:s26] =	ssyncset.done $0x0  }
0x34: {  	[sflag:s26] =	ssyncadd.s32 $0xFFFFAEA0  }
0x35: {  	_ =	swait.ge [sflag:s26], $0x5160  }
0x36: {  	[sflag:s26] =	ssyncset.done $0x0  }
0x37: {  	s1 =	simm.s32 $0x0;
	[sflag:s26] =	ssyncadd.s32 $0xFFFFAEA0  }
.LBB2_4:
0x38: {  	v8 =	vadd.s32 s1, v0;
	_ =	sdelay $0x4  }
0x39: {  	v9 =	vld.idx.msk [tilespmem:v8+s20+$0x0], $0xffff;
	_ =	sdelay $0x4  }
0x3a: {  	v8 =	vld.idx.msk [tilespmem:v8+s21+$0x0], $0xffff;
	_ =	sdelay $0x2  }
0x3b: {  	s29 =	sadd.s32 $0x1, s1;
	v9 =	vld.idx.msk [tilespmem:v9+s24+$0x0], $0xffff  }
0x3c: {  	v10 =	vadd.s32 s29, v0;
	_ =	sdelay $0x3  }
0x3d: {  	[tilespmem:v8+s3+$0x0] =	vst.idx.add.f32.msk $0xffff, v9  }
0x3e: {  	v8 =	vld.idx.msk [tilespmem:v10+s20+$0x0], $0xffff;
	_ =	sdelay $0x4  }
0x3f: {  	v9 =	vld.idx.msk [tilespmem:v10+s21+$0x0], $0xffff;
	_ =	sdelay $0x2  }
0x40: {  	s29 =	sadd.s32 $0x2, s1;
	v8 =	vld.idx.msk [tilespmem:v8+s24+$0x0], $0xffff  }
0x41: {  	v58 =	vadd.s32 s29, v0;
	_ =	sdelay $0x3  }
0x42: {  	[tilespmem:v9+s3+$0x0] =	vst.idx.add.f32.msk $0xffff, v8  }
0x43: {  	v8 =	vld.idx.msk [tilespmem:v58+s20+$0x0], $0xffff;
	_ =	sdelay $0x4  }
0x44: {  	v9 =	vld.idx.msk [tilespmem:v58+s21+$0x0], $0xffff;
	_ =	sdelay $0x2  }
0x45: {  	s29 =	sadd.s32 $0x3, s1;
	v8 =	vld.idx.msk [tilespmem:v8+s24+$0x0], $0xffff  }
0x46: {  	v59 =	vadd.s32 s29, v0;
	_ =	sdelay $0x3  }
0x47: {  	[tilespmem:v9+s3+$0x0] =	vst.idx.add.f32.msk $0xffff, v8  }
0x48: {  	v8 =	vld.idx.msk [tilespmem:v59+s20+$0x0], $0xffff;
	_ =	sdelay $0x4  }
0x49: {  	v9 =	vld.idx.msk [tilespmem:v59+s21+$0x0], $0xffff;
	_ =	sdelay $0x2  }
0x4a: {  	s29 =	sadd.s32 $0x4, s1;
	v8 =	vld.idx.msk [tilespmem:v8+s24+$0x0], $0xffff  }
0x4b: {  	v60 =	vadd.s32 s29, v0;
	_ =	sdelay $0x3  }
0x4c: {  	[tilespmem:v9+s3+$0x0] =	vst.idx.add.f32.msk $0xffff, v8  }
0x4d: {  	v8 =	vld.idx.msk [tilespmem:v60+s20+$0x0], $0xffff;
	_ =	sdelay $0x4  }
0x4e: {  	v9 =	vld.idx.msk [tilespmem:v60+s21+$0x0], $0xffff;
	_ =	sdelay $0x2  }
0x4f: {  	s29 =	sadd.s32 $0x5, s1;
	v8 =	vld.idx.msk [tilespmem:v8+s24+$0x0], $0xffff  }
0x50: {  	v61 =	vadd.s32 s29, v0;
	_ =	sdelay $0x3  }
0x51: {  	[tilespmem:v9+s3+$0x0] =	vst.idx.add.f32.msk $0xffff, v8  }
0x52: {  	v8 =	vld.idx.msk [tilespmem:v61+s20+$0x0], $0xffff;
	_ =	sdelay $0x4  }
0x53: {  	v9 =	vld.idx.msk [tilespmem:v61+s21+$0x0], $0xffff;
	_ =	sdelay $0x2  }
0x54: {  	s29 =	sadd.s32 $0x6, s1;
	v8 =	vld.idx.msk [tilespmem:v8+s24+$0x0], $0xffff  }
0x55: {  	v62 =	vadd.s32 s29, v0;
	_ =	sdelay $0x3  }
0x56: {  	[tilespmem:v9+s3+$0x0] =	vst.idx.add.f32.msk $0xffff, v8  }
0x57: {  	v8 =	vld.idx.msk [tilespmem:v62+s20+$0x0], $0xffff;
	_ =	sdelay $0x4  }
0x58: {  	v9 =	vld.idx.msk [tilespmem:v62+s21+$0x0], $0xffff;
	_ =	sdelay $0x2  }
0x59: {  	s29 =	sadd.s32 $0x7, s1;
	v8 =	vld.idx.msk [tilespmem:v8+s24+$0x0], $0xffff  }
0x5a: {  	v63 =	vadd.s32 s29, v0;
	_ =	sdelay $0x3  }
0x5b: {  	[tilespmem:v9+s3+$0x0] =	vst.idx.add.f32.msk $0xffff, v8  }
0x5c: {  	v8 =	vld.idx.msk [tilespmem:v63+s20+$0x0], $0xffff;
	_ =	sdelay $0x4  }
0x5d: {  	v9 =	vld.idx.msk [tilespmem:v63+s21+$0x0], $0xffff;
	_ =	sdelay $0x2  }
0x5e: {  	p0 =	slt.u32 s1, $0x508;
	v8 =	vld.idx.msk [tilespmem:v8+s24+$0x0], $0xffff  }
.Ltmp1:
0x5f: {  	_ = 	snop;
	(pc) =	sbr.rel @p0 .LBB2_4-.Ltmp1, $2  }
0x60: {  	_ =	sdelay $0x2  }
0x61: {  	s1 =	sadd.s32 $0x8, s1;
	[tilespmem:v9+s3+$0x0] =	vst.idx.add.f32.msk $0xffff, v8  }
0x62: {  	_ =	sdelay $0x3  }
0x63: {  	v8 =	vld.idx.msk [tilespmem:v2+s20+$0x0], $0xffff;
	_ =	sdelay $0x4  }
0x64: {  	v9 =	vld.idx.msk [tilespmem:v2+s21+$0x0], $0xffff;
	_ =	sdelay $0x2  }
0x65: {  	v8 =	vld.idx.msk [tilespmem:v8+s24+$0x0], $0xffff;
	_ =	sdelay $0x3  }
0x66: {  	s1 =	simm.s32 $0x0  }
0x67: {  	[tilespmem:v9+s1+$0x0] =	vst.idx.add.f32.msk $0xffff, v8  }
0x68: {  	v8 =	vld.idx.msk [tilespmem:v3+s20+$0x0], $0xffff;
	_ =	sdelay $0x4  }
0x69: {  	v9 =	vld.idx.msk [tilespmem:v3+s21+$0x0], $0xffff;
	_ =	sdelay $0x2  }
0x6a: {  	v8 =	vld.idx.msk [tilespmem:v8+s24+$0x0], $0xffff;
	_ =	sdelay $0x4  }
0x6b: {  	[tilespmem:v9+s1+$0x0] =	vst.idx.add.f32.msk $0xffff, v8  }
0x6c: {  	v8 =	vld.idx.msk [tilespmem:v4+s20+$0x0], $0xffff;
	_ =	sdelay $0x4  }
0x6d: {  	v9 =	vld.idx.msk [tilespmem:v4+s21+$0x0], $0xffff;
	_ =	sdelay $0x2  }
0x6e: {  	v8 =	vld.idx.msk [tilespmem:v8+s24+$0x0], $0xffff;
	_ =	sdelay $0x4  }
0x6f: {  	[tilespmem:v9+s1+$0x0] =	vst.idx.add.f32.msk $0xffff, v8  }
0x70: {  	v8 =	vld.idx.msk [tilespmem:v5+s20+$0x0], $0xffff;
	_ =	sdelay $0x4  }
0x71: {  	v9 =	vld.idx.msk [tilespmem:v5+s21+$0x0], $0xffff;
	_ =	sdelay $0x2  }
0x72: {  	v8 =	vld.idx.msk [tilespmem:v8+s24+$0x0], $0xffff;
	_ =	sdelay $0x4  }
0x73: {  	[tilespmem:v9+s1+$0x0] =	vst.idx.add.f32.msk $0xffff, v8  }
0x74: {  	v8 =	vld.idx.msk [tilespmem:v6+s20+$0x0], $0xffff;
	_ =	sdelay $0x4  }
0x75: {  	v9 =	vld.idx.msk [tilespmem:v6+s21+$0x0], $0xffff;
	_ =	sdelay $0x2  }
0x76: {  	v8 =	vld.idx.msk [tilespmem:v8+s24+$0x0], $0xffff;
	_ =	sdelay $0x4  }
0x77: {  	[tilespmem:v9+s1+$0x0] =	vst.idx.add.f32.msk $0xffff, v8  }
0x78: {  	v8 =	vld.idx.msk [tilespmem:v7+s20+$0x0], $0xffff;
	_ =	sdelay $0x4  }
0x79: {  	v9 =	vld.idx.msk [tilespmem:v7+s21+$0x0], $0xffff;
	_ =	sdelay $0x2  }
0x7a: {  	v8 =	vld.idx.msk [tilespmem:v8+s24+$0x0], $0xffff;
	_ =	sdelay $0x4  }
0x7b: {  	[tilespmem:v9+s1+$0x0] =	vst.idx.add.f32.msk $0xffff, v8  }
0x7c: {  	[tilespmem:s20], [sflag:$0x1] =	stream.linear.gather [hbm4b:s8+s1], $0x5160, $0x38;
	[tilespmem:$0x18780] =	vst v63  }
0x7d: {  	_ = 	snop  }
0x7e: {  	[tilespmem:s21], [sflag:$0x1] =	stream.linear.gather [hbm4b:s9+s1], $0x5160, $0x38;
	[tilespmem:$0x18780] =	vst v63  }
0x7f: {  	_ =	swait.ge [sflag:s28], $0x5160  }
0x80: {  	[sflag:s28] =	ssyncset.done $0x0  }
0x81: {  	[sflag:s28] =	ssyncadd.s32 $0xFFFFAEA0  }
0x82: {  	_ =	swait.ge [sflag:s28], $0x5160  }
0x83: {  	[sflag:s28] =	ssyncset.done $0x0  }
0x84: {  	[sflag:s28] =	ssyncadd.s32 $0xFFFFAEA0  }
.LBB2_6:
0x85: {  	v8 =	vadd.s32 s1, v0;
	_ =	sdelay $0x4  }
0x86: {  	v9 =	vld.idx.msk [tilespmem:v8+s22+$0x0], $0xffff;
	_ =	sdelay $0x4  }
0x87: {  	v8 =	vld.idx.msk [tilespmem:v8+s23+$0x0], $0xffff;
	_ =	sdelay $0x2  }
0x88: {  	s29 =	sadd.s32 $0x1, s1;
	v9 =	vld.idx.msk [tilespmem:v9+s24+$0x0], $0xffff  }
0x89: {  	v10 =	vadd.s32 s29, v0;
	_ =	sdelay $0x3  }
0x8a: {  	[tilespmem:v8+s3+$0x0] =	vst.idx.add.f32.msk $0xffff, v9  }
0x8b: {  	v8 =	vld.idx.msk [tilespmem:v10+s22+$0x0], $0xffff;
	_ =	sdelay $0x4  }
0x8c: {  	v9 =	vld.idx.msk [tilespmem:v10+s23+$0x0], $0xffff;
	_ =	sdelay $0x2  }
0x8d: {  	s29 =	sadd.s32 $0x2, s1;
	v8 =	vld.idx.msk [tilespmem:v8+s24+$0x0], $0xffff  }
0x8e: {  	v58 =	vadd.s32 s29, v0;
	_ =	sdelay $0x3  }
0x8f: {  	[tilespmem:v9+s3+$0x0] =	vst.idx.add.f32.msk $0xffff, v8  }
0x90: {  	v8 =	vld.idx.msk [tilespmem:v58+s22+$0x0], $0xffff;
	_ =	sdelay $0x4  }
0x91: {  	v9 =	vld.idx.msk [tilespmem:v58+s23+$0x0], $0xffff;
	_ =	sdelay $0x2  }
0x92: {  	s29 =	sadd.s32 $0x3, s1;
	v8 =	vld.idx.msk [tilespmem:v8+s24+$0x0], $0xffff  }
0x93: {  	v59 =	vadd.s32 s29, v0;
	_ =	sdelay $0x3  }
0x94: {  	[tilespmem:v9+s3+$0x0] =	vst.idx.add.f32.msk $0xffff, v8  }
0x95: {  	v8 =	vld.idx.msk [tilespmem:v59+s22+$0x0], $0xffff;
	_ =	sdelay $0x4  }
0x96: {  	v9 =	vld.idx.msk [tilespmem:v59+s23+$0x0], $0xffff;
	_ =	sdelay $0x2  }
0x97: {  	s29 =	sadd.s32 $0x4, s1;
	v8 =	vld.idx.msk [tilespmem:v8+s24+$0x0], $0xffff  }
0x98: {  	v60 =	vadd.s32 s29, v0;
	_ =	sdelay $0x3  }
0x99: {  	[tilespmem:v9+s3+$0x0] =	vst.idx.add.f32.msk $0xffff, v8  }
0x9a: {  	v8 =	vld.idx.msk [tilespmem:v60+s22+$0x0], $0xffff;
	_ =	sdelay $0x4  }
0x9b: {  	v9 =	vld.idx.msk [tilespmem:v60+s23+$0x0], $0xffff;
	_ =	sdelay $0x2  }
0x9c: {  	s29 =	sadd.s32 $0x5, s1;
	v8 =	vld.idx.msk [tilespmem:v8+s24+$0x0], $0xffff  }
0x9d: {  	v61 =	vadd.s32 s29, v0;
	_ =	sdelay $0x3  }
0x9e: {  	[tilespmem:v9+s3+$0x0] =	vst.idx.add.f32.msk $0xffff, v8  }
0x9f: {  	v8 =	vld.idx.msk [tilespmem:v61+s22+$0x0], $0xffff;
	_ =	sdelay $0x4  }
0xa0: {  	v9 =	vld.idx.msk [tilespmem:v61+s23+$0x0], $0xffff;
	_ =	sdelay $0x2  }
0xa1: {  	s29 =	sadd.s32 $0x6, s1;
	v8 =	vld.idx.msk [tilespmem:v8+s24+$0x0], $0xffff  }
0xa2: {  	v62 =	vadd.s32 s29, v0;
	_ =	sdelay $0x3  }
0xa3: {  	[tilespmem:v9+s3+$0x0] =	vst.idx.add.f32.msk $0xffff, v8  }
0xa4: {  	v8 =	vld.idx.msk [tilespmem:v62+s22+$0x0], $0xffff;
	_ =	sdelay $0x4  }
0xa5: {  	v9 =	vld.idx.msk [tilespmem:v62+s23+$0x0], $0xffff;
	_ =	sdelay $0x2  }
0xa6: {  	s29 =	sadd.s32 $0x7, s1;
	v8 =	vld.idx.msk [tilespmem:v8+s24+$0x0], $0xffff  }
0xa7: {  	v63 =	vadd.s32 s29, v0;
	_ =	sdelay $0x3  }
0xa8: {  	[tilespmem:v9+s3+$0x0] =	vst.idx.add.f32.msk $0xffff, v8  }
0xa9: {  	v8 =	vld.idx.msk [tilespmem:v63+s22+$0x0], $0xffff;
	_ =	sdelay $0x4  }
0xaa: {  	v9 =	vld.idx.msk [tilespmem:v63+s23+$0x0], $0xffff;
	_ =	sdelay $0x2  }
0xab: {  	p0 =	slt.u32 s1, $0x508;
	v8 =	vld.idx.msk [tilespmem:v8+s24+$0x0], $0xffff  }
.Ltmp2:
0xac: {  	_ = 	snop;
	(pc) =	sbr.rel @p0 .LBB2_6-.Ltmp2, $2  }
0xad: {  	_ =	sdelay $0x2  }
0xae: {  	s1 =	sadd.s32 $0x8, s1;
	[tilespmem:v9+s3+$0x0] =	vst.idx.add.f32.msk $0xffff, v8  }
0xaf: {  	_ =	sdelay $0x3  }
0xb0: {  	v8 =	vld.idx.msk [tilespmem:v2+s22+$0x0], $0xffff;
	_ =	sdelay $0x4  }
0xb1: {  	v9 =	vld.idx.msk [tilespmem:v2+s23+$0x0], $0xffff;
	_ =	sdelay $0x2  }
0xb2: {  	v8 =	vld.idx.msk [tilespmem:v8+s24+$0x0], $0xffff;
	_ =	sdelay $0x3  }
0xb3: {  	s1 =	simm.s32 $0x0  }
0xb4: {  	[tilespmem:v9+s1+$0x0] =	vst.idx.add.f32.msk $0xffff, v8  }
0xb5: {  	v8 =	vld.idx.msk [tilespmem:v3+s22+$0x0], $0xffff;
	_ =	sdelay $0x4  }
0xb6: {  	v9 =	vld.idx.msk [tilespmem:v3+s23+$0x0], $0xffff;
	_ =	sdelay $0x2  }
0xb7: {  	v8 =	vld.idx.msk [tilespmem:v8+s24+$0x0], $0xffff;
	_ =	sdelay $0x4  }
0xb8: {  	[tilespmem:v9+s1+$0x0] =	vst.idx.add.f32.msk $0xffff, v8  }
0xb9: {  	v8 =	vld.idx.msk [tilespmem:v4+s22+$0x0], $0xffff;
	_ =	sdelay $0x4  }
0xba: {  	v9 =	vld.idx.msk [tilespmem:v4+s23+$0x0], $0xffff;
	_ =	sdelay $0x2  }
0xbb: {  	v8 =	vld.idx.msk [tilespmem:v8+s24+$0x0], $0xffff;
	_ =	sdelay $0x4  }
0xbc: {  	[tilespmem:v9+s1+$0x0] =	vst.idx.add.f32.msk $0xffff, v8  }
0xbd: {  	v8 =	vld.idx.msk [tilespmem:v5+s22+$0x0], $0xffff;
	_ =	sdelay $0x4  }
0xbe: {  	v9 =	vld.idx.msk [tilespmem:v5+s23+$0x0], $0xffff;
	_ =	sdelay $0x2  }
0xbf: {  	v8 =	vld.idx.msk [tilespmem:v8+s24+$0x0], $0xffff;
	_ =	sdelay $0x4  }
0xc0: {  	[tilespmem:v9+s1+$0x0] =	vst.idx.add.f32.msk $0xffff, v8  }
0xc1: {  	v8 =	vld.idx.msk [tilespmem:v6+s22+$0x0], $0xffff;
	_ =	sdelay $0x4  }
0xc2: {  	v9 =	vld.idx.msk [tilespmem:v6+s23+$0x0], $0xffff;
	_ =	sdelay $0x2  }
0xc3: {  	v8 =	vld.idx.msk [tilespmem:v8+s24+$0x0], $0xffff;
	_ =	sdelay $0x4  }
0xc4: {  	[tilespmem:v9+s1+$0x0] =	vst.idx.add.f32.msk $0xffff, v8  }
0xc5: {  	v8 =	vld.idx.msk [tilespmem:v7+s22+$0x0], $0xffff;
	_ =	sdelay $0x4  }
0xc6: {  	v9 =	vld.idx.msk [tilespmem:v7+s23+$0x0], $0xffff;
	_ =	sdelay $0x2  }
0xc7: {  	v8 =	vld.idx.msk [tilespmem:v8+s24+$0x0], $0xffff;
	_ =	sdelay $0x4  }
0xc8: {  	[tilespmem:v9+s1+$0x0] =	vst.idx.add.f32.msk $0xffff, v8  }
0xc9: {  	[tilespmem:s22], [sflag:$0x2] =	stream.linear.gather [hbm4b:s10+s1], $0x5160, $0x38;
	[tilespmem:$0x18780] =	vst v63  }
0xca: {  	_ = 	snop  }
0xcb: {  	[tilespmem:s23], [sflag:$0x2] =	stream.linear.gather [hbm4b:s11+s1], $0x5160, $0x38;
	[tilespmem:$0x18780] =	vst v63  }
0xcc: {  	_ =	swait.ge [sflag:s26], $0x5160  }
0xcd: {  	[sflag:s26] =	ssyncset.done $0x0  }
0xce: {  	[sflag:s26] =	ssyncadd.s32 $0xFFFFAEA0  }
0xcf: {  	_ =	swait.ge [sflag:s26], $0x5160  }
0xd0: {  	[sflag:s26] =	ssyncset.done $0x0  }
0xd1: {  	[sflag:s26] =	ssyncadd.s32 $0xFFFFAEA0  }
.LBB2_8:
0xd2: {  	v8 =	vadd.s32 s1, v0;
	_ =	sdelay $0x4  }
0xd3: {  	v9 =	vld.idx.msk [tilespmem:v8+s20+$0x0], $0xffff;
	_ =	sdelay $0x4  }
0xd4: {  	v8 =	vld.idx.msk [tilespmem:v8+s21+$0x0], $0xffff;
	_ =	sdelay $0x2  }
0xd5: {  	s29 =	sadd.s32 $0x1, s1;
	v9 =	vld.idx.msk [tilespmem:v9+s24+$0x0], $0xffff  }
0xd6: {  	v10 =	vadd.s32 s29, v0;
	_ =	sdelay $0x3  }
0xd7: {  	[tilespmem:v8+s3+$0x0] =	vst.idx.add.f32.msk $0xffff, v9  }
0xd8: {  	v8 =	vld.idx.msk [tilespmem:v10+s20+$0x0], $0xffff;
	_ =	sdelay $0x4  }
0xd9: {  	v9 =	vld.idx.msk [tilespmem:v10+s21+$0x0], $0xffff;
	_ =	sdelay $0x2  }
0xda: {  	s29 =	sadd.s32 $0x2, s1;
	v8 =	vld.idx.msk [tilespmem:v8+s24+$0x0], $0xffff  }
0xdb: {  	v58 =	vadd.s32 s29, v0;
	_ =	sdelay $0x3  }
0xdc: {  	[tilespmem:v9+s3+$0x0] =	vst.idx.add.f32.msk $0xffff, v8  }
0xdd: {  	v8 =	vld.idx.msk [tilespmem:v58+s20+$0x0], $0xffff;
	_ =	sdelay $0x4  }
0xde: {  	v9 =	vld.idx.msk [tilespmem:v58+s21+$0x0], $0xffff;
	_ =	sdelay $0x2  }
0xdf: {  	s29 =	sadd.s32 $0x3, s1;
	v8 =	vld.idx.msk [tilespmem:v8+s24+$0x0], $0xffff  }
0xe0: {  	v59 =	vadd.s32 s29, v0;
	_ =	sdelay $0x3  }
0xe1: {  	[tilespmem:v9+s3+$0x0] =	vst.idx.add.f32.msk $0xffff, v8  }
0xe2: {  	v8 =	vld.idx.msk [tilespmem:v59+s20+$0x0], $0xffff;
	_ =	sdelay $0x4  }
0xe3: {  	v9 =	vld.idx.msk [tilespmem:v59+s21+$0x0], $0xffff;
	_ =	sdelay $0x2  }
0xe4: {  	s29 =	sadd.s32 $0x4, s1;
	v8 =	vld.idx.msk [tilespmem:v8+s24+$0x0], $0xffff  }
0xe5: {  	v60 =	vadd.s32 s29, v0;
	_ =	sdelay $0x3  }
0xe6: {  	[tilespmem:v9+s3+$0x0] =	vst.idx.add.f32.msk $0xffff, v8  }
0xe7: {  	v8 =	vld.idx.msk [tilespmem:v60+s20+$0x0], $0xffff;
	_ =	sdelay $0x4  }
0xe8: {  	v9 =	vld.idx.msk [tilespmem:v60+s21+$0x0], $0xffff;
	_ =	sdelay $0x2  }
0xe9: {  	s29 =	sadd.s32 $0x5, s1;
	v8 =	vld.idx.msk [tilespmem:v8+s24+$0x0], $0xffff  }
0xea: {  	v61 =	vadd.s32 s29, v0;
	_ =	sdelay $0x3  }
0xeb: {  	[tilespmem:v9+s3+$0x0] =	vst.idx.add.f32.msk $0xffff, v8  }
0xec: {  	v8 =	vld.idx.msk [tilespmem:v61+s20+$0x0], $0xffff;
	_ =	sdelay $0x4  }
0xed: {  	v9 =	vld.idx.msk [tilespmem:v61+s21+$0x0], $0xffff;
	_ =	sdelay $0x2  }
0xee: {  	s29 =	sadd.s32 $0x6, s1;
	v8 =	vld.idx.msk [tilespmem:v8+s24+$0x0], $0xffff  }
0xef: {  	v62 =	vadd.s32 s29, v0;
	_ =	sdelay $0x3  }
0xf0: {  	[tilespmem:v9+s3+$0x0] =	vst.idx.add.f32.msk $0xffff, v8  }
0xf1: {  	v8 =	vld.idx.msk [tilespmem:v62+s20+$0x0], $0xffff;
	_ =	sdelay $0x4  }
0xf2: {  	v9 =	vld.idx.msk [tilespmem:v62+s21+$0x0], $0xffff;
	_ =	sdelay $0x2  }
0xf3: {  	s29 =	sadd.s32 $0x7, s1;
	v8 =	vld.idx.msk [tilespmem:v8+s24+$0x0], $0xffff  }
0xf4: {  	v63 =	vadd.s32 s29, v0;
	_ =	sdelay $0x3  }
0xf5: {  	[tilespmem:v9+s3+$0x0] =	vst.idx.add.f32.msk $0xffff, v8  }
0xf6: {  	v8 =	vld.idx.msk [tilespmem:v63+s20+$0x0], $0xffff;
	_ =	sdelay $0x4  }
0xf7: {  	v9 =	vld.idx.msk [tilespmem:v63+s21+$0x0], $0xffff;
	_ =	sdelay $0x2  }
0xf8: {  	p0 =	slt.u32 s1, $0x508;
	v8 =	vld.idx.msk [tilespmem:v8+s24+$0x0], $0xffff  }
.Ltmp3:
0xf9: {  	_ = 	snop;
	(pc) =	sbr.rel @p0 .LBB2_8-.Ltmp3, $2  }
0xfa: {  	_ =	sdelay $0x2  }
0xfb: {  	s1 =	sadd.s32 $0x8, s1;
	[tilespmem:v9+s3+$0x0] =	vst.idx.add.f32.msk $0xffff, v8  }
0xfc: {  	_ =	sdelay $0x3  }
0xfd: {  	v8 =	vld.idx.msk [tilespmem:v2+s20+$0x0], $0xffff;
	_ =	sdelay $0x4  }
0xfe: {  	v9 =	vld.idx.msk [tilespmem:v2+s21+$0x0], $0xffff;
	_ =	sdelay $0x2  }
0xff: {  	v8 =	vld.idx.msk [tilespmem:v8+s24+$0x0], $0xffff;
	_ =	sdelay $0x3  }
0x100: {  	s1 =	simm.s32 $0x0  }
0x101: {  	[tilespmem:v9+s1+$0x0] =	vst.idx.add.f32.msk $0xffff, v8  }
0x102: {  	v8 =	vld.idx.msk [tilespmem:v3+s20+$0x0], $0xffff;
	_ =	sdelay $0x4  }
0x103: {  	v9 =	vld.idx.msk [tilespmem:v3+s21+$0x0], $0xffff;
	_ =	sdelay $0x2  }
0x104: {  	v8 =	vld.idx.msk [tilespmem:v8+s24+$0x0], $0xffff;
	_ =	sdelay $0x4  }
0x105: {  	[tilespmem:v9+s1+$0x0] =	vst.idx.add.f32.msk $0xffff, v8  }
0x106: {  	v8 =	vld.idx.msk [tilespmem:v4+s20+$0x0], $0xffff;
	_ =	sdelay $0x4  }
0x107: {  	v9 =	vld.idx.msk [tilespmem:v4+s21+$0x0], $0xffff;
	_ =	sdelay $0x2  }
0x108: {  	v8 =	vld.idx.msk [tilespmem:v8+s24+$0x0], $0xffff;
	_ =	sdelay $0x4  }
0x109: {  	[tilespmem:v9+s1+$0x0] =	vst.idx.add.f32.msk $0xffff, v8  }
0x10a: {  	v8 =	vld.idx.msk [tilespmem:v5+s20+$0x0], $0xffff;
	_ =	sdelay $0x4  }
0x10b: {  	v9 =	vld.idx.msk [tilespmem:v5+s21+$0x0], $0xffff;
	_ =	sdelay $0x2  }
0x10c: {  	v8 =	vld.idx.msk [tilespmem:v8+s24+$0x0], $0xffff;
	_ =	sdelay $0x4  }
0x10d: {  	[tilespmem:v9+s1+$0x0] =	vst.idx.add.f32.msk $0xffff, v8  }
0x10e: {  	v8 =	vld.idx.msk [tilespmem:v6+s20+$0x0], $0xffff;
	_ =	sdelay $0x4  }
0x10f: {  	v9 =	vld.idx.msk [tilespmem:v6+s21+$0x0], $0xffff;
	_ =	sdelay $0x2  }
0x110: {  	v8 =	vld.idx.msk [tilespmem:v8+s24+$0x0], $0xffff;
	_ =	sdelay $0x4  }
0x111: {  	[tilespmem:v9+s1+$0x0] =	vst.idx.add.f32.msk $0xffff, v8  }
0x112: {  	v8 =	vld.idx.msk [tilespmem:v7+s20+$0x0], $0xffff;
	_ =	sdelay $0x4  }
0x113: {  	v9 =	vld.idx.msk [tilespmem:v7+s21+$0x0], $0xffff;
	_ =	sdelay $0x2  }
0x114: {  	v8 =	vld.idx.msk [tilespmem:v8+s24+$0x0], $0xffff;
	_ =	sdelay $0x4  }
0x115: {  	[tilespmem:v9+s1+$0x0] =	vst.idx.add.f32.msk $0xffff, v8  }
0x116: {  	[tilespmem:s20], [sflag:$0x1] =	stream.linear.gather [hbm4b:s12+s1], $0x5160, $0x38;
	[tilespmem:$0x18780] =	vst v63  }
0x117: {  	_ = 	snop  }
0x118: {  	[tilespmem:s21], [sflag:$0x1] =	stream.linear.gather [hbm4b:s13+s1], $0x5160, $0x38;
	[tilespmem:$0x18780] =	vst v63  }
0x119: {  	_ =	swait.ge [sflag:s28], $0x5160  }
0x11a: {  	[sflag:s28] =	ssyncset.done $0x0  }
0x11b: {  	[sflag:s28] =	ssyncadd.s32 $0xFFFFAEA0  }
0x11c: {  	_ =	swait.ge [sflag:s28], $0x5160  }
0x11d: {  	[sflag:s28] =	ssyncset.done $0x0  }
0x11e: {  	[sflag:s28] =	ssyncadd.s32 $0xFFFFAEA0  }
.LBB2_10:
0x11f: {  	v8 =	vadd.s32 s1, v0;
	_ =	sdelay $0x4  }
0x120: {  	v9 =	vld.idx.msk [tilespmem:v8+s22+$0x0], $0xffff;
	_ =	sdelay $0x4  }
0x121: {  	v8 =	vld.idx.msk [tilespmem:v8+s23+$0x0], $0xffff;
	_ =	sdelay $0x2  }
0x122: {  	s29 =	sadd.s32 $0x1, s1;
	v9 =	vld.idx.msk [tilespmem:v9+s24+$0x0], $0xffff  }
0x123: {  	v10 =	vadd.s32 s29, v0;
	_ =	sdelay $0x3  }
0x124: {  	[tilespmem:v8+s3+$0x0] =	vst.idx.add.f32.msk $0xffff, v9  }
0x125: {  	v8 =	vld.idx.msk [tilespmem:v10+s22+$0x0], $0xffff;
	_ =	sdelay $0x4  }
0x126: {  	v9 =	vld.idx.msk [tilespmem:v10+s23+$0x0], $0xffff;
	_ =	sdelay $0x2  }
0x127: {  	s29 =	sadd.s32 $0x2, s1;
	v8 =	vld.idx.msk [tilespmem:v8+s24+$0x0], $0xffff  }
0x128: {  	v58 =	vadd.s32 s29, v0;
	_ =	sdelay $0x3  }
0x129: {  	[tilespmem:v9+s3+$0x0] =	vst.idx.add.f32.msk $0xffff, v8  }
0x12a: {  	v8 =	vld.idx.msk [tilespmem:v58+s22+$0x0], $0xffff;
	_ =	sdelay $0x4  }
0x12b: {  	v9 =	vld.idx.msk [tilespmem:v58+s23+$0x0], $0xffff;
	_ =	sdelay $0x2  }
0x12c: {  	s29 =	sadd.s32 $0x3, s1;
	v8 =	vld.idx.msk [tilespmem:v8+s24+$0x0], $0xffff  }
0x12d: {  	v59 =	vadd.s32 s29, v0;
	_ =	sdelay $0x3  }
0x12e: {  	[tilespmem:v9+s3+$0x0] =	vst.idx.add.f32.msk $0xffff, v8  }
0x12f: {  	v8 =	vld.idx.msk [tilespmem:v59+s22+$0x0], $0xffff;
	_ =	sdelay $0x4  }
0x130: {  	v9 =	vld.idx.msk [tilespmem:v59+s23+$0x0], $0xffff;
	_ =	sdelay $0x2  }
0x131: {  	s29 =	sadd.s32 $0x4, s1;
	v8 =	vld.idx.msk [tilespmem:v8+s24+$0x0], $0xffff  }
0x132: {  	v60 =	vadd.s32 s29, v0;
	_ =	sdelay $0x3  }
0x133: {  	[tilespmem:v9+s3+$0x0] =	vst.idx.add.f32.msk $0xffff, v8  }
0x134: {  	v8 =	vld.idx.msk [tilespmem:v60+s22+$0x0], $0xffff;
	_ =	sdelay $0x4  }
0x135: {  	v9 =	vld.idx.msk [tilespmem:v60+s23+$0x0], $0xffff;
	_ =	sdelay $0x2  }
0x136: {  	s29 =	sadd.s32 $0x5, s1;
	v8 =	vld.idx.msk [tilespmem:v8+s24+$0x0], $0xffff  }
0x137: {  	v61 =	vadd.s32 s29, v0;
	_ =	sdelay $0x3  }
0x138: {  	[tilespmem:v9+s3+$0x0] =	vst.idx.add.f32.msk $0xffff, v8  }
0x139: {  	v8 =	vld.idx.msk [tilespmem:v61+s22+$0x0], $0xffff;
	_ =	sdelay $0x4  }
0x13a: {  	v9 =	vld.idx.msk [tilespmem:v61+s23+$0x0], $0xffff;
	_ =	sdelay $0x2  }
0x13b: {  	s29 =	sadd.s32 $0x6, s1;
	v8 =	vld.idx.msk [tilespmem:v8+s24+$0x0], $0xffff  }
0x13c: {  	v62 =	vadd.s32 s29, v0;
	_ =	sdelay $0x3  }
0x13d: {  	[tilespmem:v9+s3+$0x0] =	vst.idx.add.f32.msk $0xffff, v8  }
0x13e: {  	v8 =	vld.idx.msk [tilespmem:v62+s22+$0x0], $0xffff;
	_ =	sdelay $0x4  }
0x13f: {  	v9 =	vld.idx.msk [tilespmem:v62+s23+$0x0], $0xffff;
	_ =	sdelay $0x2  }
0x140: {  	s29 =	sadd.s32 $0x7, s1;
	v8 =	vld.idx.msk [tilespmem:v8+s24+$0x0], $0xffff  }
0x141: {  	v63 =	vadd.s32 s29, v0;
	_ =	sdelay $0x3  }
0x142: {  	[tilespmem:v9+s3+$0x0] =	vst.idx.add.f32.msk $0xffff, v8  }
0x143: {  	v8 =	vld.idx.msk [tilespmem:v63+s22+$0x0], $0xffff;
	_ =	sdelay $0x4  }
0x144: {  	v9 =	vld.idx.msk [tilespmem:v63+s23+$0x0], $0xffff;
	_ =	sdelay $0x2  }
0x145: {  	p0 =	slt.u32 s1, $0x508;
	v8 =	vld.idx.msk [tilespmem:v8+s24+$0x0], $0xffff  }
.Ltmp4:
0x146: {  	_ = 	snop;
	(pc) =	sbr.rel @p0 .LBB2_10-.Ltmp4, $2  }
0x147: {  	_ =	sdelay $0x2  }
0x148: {  	s1 =	sadd.s32 $0x8, s1;
	[tilespmem:v9+s3+$0x0] =	vst.idx.add.f32.msk $0xffff, v8  }
0x149: {  	_ =	sdelay $0x3  }
0x14a: {  	v8 =	vld.idx.msk [tilespmem:v2+s22+$0x0], $0xffff;
	_ =	sdelay $0x4  }
0x14b: {  	v9 =	vld.idx.msk [tilespmem:v2+s23+$0x0], $0xffff;
	_ =	sdelay $0x2  }
0x14c: {  	v8 =	vld.idx.msk [tilespmem:v8+s24+$0x0], $0xffff;
	_ =	sdelay $0x3  }
0x14d: {  	s1 =	simm.s32 $0x0  }
0x14e: {  	[tilespmem:v9+s1+$0x0] =	vst.idx.add.f32.msk $0xffff, v8  }
0x14f: {  	v8 =	vld.idx.msk [tilespmem:v3+s22+$0x0], $0xffff;
	_ =	sdelay $0x4  }
0x150: {  	v9 =	vld.idx.msk [tilespmem:v3+s23+$0x0], $0xffff;
	_ =	sdelay $0x2  }
0x151: {  	v8 =	vld.idx.msk [tilespmem:v8+s24+$0x0], $0xffff;
	_ =	sdelay $0x4  }
0x152: {  	[tilespmem:v9+s1+$0x0] =	vst.idx.add.f32.msk $0xffff, v8  }
0x153: {  	v8 =	vld.idx.msk [tilespmem:v4+s22+$0x0], $0xffff;
	_ =	sdelay $0x4  }
0x154: {  	v9 =	vld.idx.msk [tilespmem:v4+s23+$0x0], $0xffff;
	_ =	sdelay $0x2  }
0x155: {  	v8 =	vld.idx.msk [tilespmem:v8+s24+$0x0], $0xffff;
	_ =	sdelay $0x4  }
0x156: {  	[tilespmem:v9+s1+$0x0] =	vst.idx.add.f32.msk $0xffff, v8  }
0x157: {  	v8 =	vld.idx.msk [tilespmem:v5+s22+$0x0], $0xffff;
	_ =	sdelay $0x4  }
0x158: {  	v9 =	vld.idx.msk [tilespmem:v5+s23+$0x0], $0xffff;
	_ =	sdelay $0x2  }
0x159: {  	v8 =	vld.idx.msk [tilespmem:v8+s24+$0x0], $0xffff;
	_ =	sdelay $0x4  }
0x15a: {  	[tilespmem:v9+s1+$0x0] =	vst.idx.add.f32.msk $0xffff, v8  }
0x15b: {  	v8 =	vld.idx.msk [tilespmem:v6+s22+$0x0], $0xffff;
	_ =	sdelay $0x4  }
0x15c: {  	v9 =	vld.idx.msk [tilespmem:v6+s23+$0x0], $0xffff;
	_ =	sdelay $0x2  }
0x15d: {  	v8 =	vld.idx.msk [tilespmem:v8+s24+$0x0], $0xffff;
	_ =	sdelay $0x4  }
0x15e: {  	[tilespmem:v9+s1+$0x0] =	vst.idx.add.f32.msk $0xffff, v8  }
0x15f: {  	v8 =	vld.idx.msk [tilespmem:v7+s22+$0x0], $0xffff;
	_ =	sdelay $0x4  }
0x160: {  	v9 =	vld.idx.msk [tilespmem:v7+s23+$0x0], $0xffff;
	_ =	sdelay $0x2  }
0x161: {  	v8 =	vld.idx.msk [tilespmem:v8+s24+$0x0], $0xffff;
	_ =	sdelay $0x4  }
0x162: {  	[tilespmem:v9+s1+$0x0] =	vst.idx.add.f32.msk $0xffff, v8  }
0x163: {  	[tilespmem:s22], [sflag:$0x2] =	stream.linear.gather [hbm4b:s14+s1], $0x5160, $0x38;
	[tilespmem:$0x18780] =	vst v63  }
0x164: {  	_ = 	snop  }
0x165: {  	[tilespmem:s23], [sflag:$0x2] =	stream.linear.gather [hbm4b:s15+s1], $0x5160, $0x38;
	[tilespmem:$0x18780] =	vst v63  }
0x166: {  	_ =	swait.ge [sflag:s26], $0x5160  }
0x167: {  	[sflag:s26] =	ssyncset.done $0x0  }
0x168: {  	[sflag:s26] =	ssyncadd.s32 $0xFFFFAEA0  }
0x169: {  	_ =	swait.ge [sflag:s26], $0x5160  }
0x16a: {  	[sflag:s26] =	ssyncset.done $0x0  }
0x16b: {  	[sflag:s26] =	ssyncadd.s32 $0xFFFFAEA0  }
.LBB2_12:
0x16c: {  	v8 =	vadd.s32 s1, v0;
	_ =	sdelay $0x4  }
0x16d: {  	v9 =	vld.idx.msk [tilespmem:v8+s20+$0x0], $0xffff;
	_ =	sdelay $0x4  }
0x16e: {  	v8 =	vld.idx.msk [tilespmem:v8+s21+$0x0], $0xffff;
	_ =	sdelay $0x2  }
0x16f: {  	s29 =	sadd.s32 $0x1, s1;
	v9 =	vld.idx.msk [tilespmem:v9+s24+$0x0], $0xffff  }
0x170: {  	v10 =	vadd.s32 s29, v0;
	_ =	sdelay $0x3  }
0x171: {  	[tilespmem:v8+s3+$0x0] =	vst.idx.add.f32.msk $0xffff, v9  }
0x172: {  	v8 =	vld.idx.msk [tilespmem:v10+s20+$0x0], $0xffff;
	_ =	sdelay $0x4  }
0x173: {  	v9 =	vld.idx.msk [tilespmem:v10+s21+$0x0], $0xffff;
	_ =	sdelay $0x2  }
0x174: {  	s29 =	sadd.s32 $0x2, s1;
	v8 =	vld.idx.msk [tilespmem:v8+s24+$0x0], $0xffff  }
0x175: {  	v58 =	vadd.s32 s29, v0;
	_ =	sdelay $0x3  }
0x176: {  	[tilespmem:v9+s3+$0x0] =	vst.idx.add.f32.msk $0xffff, v8  }
0x177: {  	v8 =	vld.idx.msk [tilespmem:v58+s20+$0x0], $0xffff;
	_ =	sdelay $0x4  }
0x178: {  	v9 =	vld.idx.msk [tilespmem:v58+s21+$0x0], $0xffff;
	_ =	sdelay $0x2  }
0x179: {  	s29 =	sadd.s32 $0x3, s1;
	v8 =	vld.idx.msk [tilespmem:v8+s24+$0x0], $0xffff  }
0x17a: {  	v59 =	vadd.s32 s29, v0;
	_ =	sdelay $0x3  }
0x17b: {  	[tilespmem:v9+s3+$0x0] =	vst.idx.add.f32.msk $0xffff, v8  }
0x17c: {  	v8 =	vld.idx.msk [tilespmem:v59+s20+$0x0], $0xffff;
	_ =	sdelay $0x4  }
0x17d: {  	v9 =	vld.idx.msk [tilespmem:v59+s21+$0x0], $0xffff;
	_ =	sdelay $0x2  }
0x17e: {  	s29 =	sadd.s32 $0x4, s1;
	v8 =	vld.idx.msk [tilespmem:v8+s24+$0x0], $0xffff  }
0x17f: {  	v60 =	vadd.s32 s29, v0;
	_ =	sdelay $0x3  }
0x180: {  	[tilespmem:v9+s3+$0x0] =	vst.idx.add.f32.msk $0xffff, v8  }
0x181: {  	v8 =	vld.idx.msk [tilespmem:v60+s20+$0x0], $0xffff;
	_ =	sdelay $0x4  }
0x182: {  	v9 =	vld.idx.msk [tilespmem:v60+s21+$0x0], $0xffff;
	_ =	sdelay $0x2  }
0x183: {  	s29 =	sadd.s32 $0x5, s1;
	v8 =	vld.idx.msk [tilespmem:v8+s24+$0x0], $0xffff  }
0x184: {  	v61 =	vadd.s32 s29, v0;
	_ =	sdelay $0x3  }
0x185: {  	[tilespmem:v9+s3+$0x0] =	vst.idx.add.f32.msk $0xffff, v8  }
0x186: {  	v8 =	vld.idx.msk [tilespmem:v61+s20+$0x0], $0xffff;
	_ =	sdelay $0x4  }
0x187: {  	v9 =	vld.idx.msk [tilespmem:v61+s21+$0x0], $0xffff;
	_ =	sdelay $0x2  }
0x188: {  	s29 =	sadd.s32 $0x6, s1;
	v8 =	vld.idx.msk [tilespmem:v8+s24+$0x0], $0xffff  }
0x189: {  	v62 =	vadd.s32 s29, v0;
	_ =	sdelay $0x3  }
0x18a: {  	[tilespmem:v9+s3+$0x0] =	vst.idx.add.f32.msk $0xffff, v8  }
0x18b: {  	v8 =	vld.idx.msk [tilespmem:v62+s20+$0x0], $0xffff;
	_ =	sdelay $0x4  }
0x18c: {  	v9 =	vld.idx.msk [tilespmem:v62+s21+$0x0], $0xffff;
	_ =	sdelay $0x2  }
0x18d: {  	s29 =	sadd.s32 $0x7, s1;
	v8 =	vld.idx.msk [tilespmem:v8+s24+$0x0], $0xffff  }
0x18e: {  	v63 =	vadd.s32 s29, v0;
	_ =	sdelay $0x3  }
0x18f: {  	[tilespmem:v9+s3+$0x0] =	vst.idx.add.f32.msk $0xffff, v8  }
0x190: {  	v8 =	vld.idx.msk [tilespmem:v63+s20+$0x0], $0xffff;
	_ =	sdelay $0x4  }
0x191: {  	v9 =	vld.idx.msk [tilespmem:v63+s21+$0x0], $0xffff;
	_ =	sdelay $0x2  }
0x192: {  	p0 =	slt.u32 s1, $0x508;
	v8 =	vld.idx.msk [tilespmem:v8+s24+$0x0], $0xffff  }
.Ltmp5:
0x193: {  	_ = 	snop;
	(pc) =	sbr.rel @p0 .LBB2_12-.Ltmp5, $2  }
0x194: {  	_ =	sdelay $0x2  }
0x195: {  	s1 =	sadd.s32 $0x8, s1;
	[tilespmem:v9+s3+$0x0] =	vst.idx.add.f32.msk $0xffff, v8  }
0x196: {  	_ =	sdelay $0x3  }
0x197: {  	v8 =	vld.idx.msk [tilespmem:v2+s20+$0x0], $0xffff;
	_ =	sdelay $0x4  }
0x198: {  	v9 =	vld.idx.msk [tilespmem:v2+s21+$0x0], $0xffff;
	_ =	sdelay $0x2  }
0x199: {  	v8 =	vld.idx.msk [tilespmem:v8+s24+$0x0], $0xffff;
	_ =	sdelay $0x3  }
0x19a: {  	s1 =	simm.s32 $0x0  }
0x19b: {  	[tilespmem:v9+s1+$0x0] =	vst.idx.add.f32.msk $0xffff, v8  }
0x19c: {  	v8 =	vld.idx.msk [tilespmem:v3+s20+$0x0], $0xffff;
	_ =	sdelay $0x4  }
0x19d: {  	v9 =	vld.idx.msk [tilespmem:v3+s21+$0x0], $0xffff;
	_ =	sdelay $0x2  }
0x19e: {  	v8 =	vld.idx.msk [tilespmem:v8+s24+$0x0], $0xffff;
	_ =	sdelay $0x4  }
0x19f: {  	[tilespmem:v9+s1+$0x0] =	vst.idx.add.f32.msk $0xffff, v8  }
0x1a0: {  	v8 =	vld.idx.msk [tilespmem:v4+s20+$0x0], $0xffff;
	_ =	sdelay $0x4  }
0x1a1: {  	v9 =	vld.idx.msk [tilespmem:v4+s21+$0x0], $0xffff;
	_ =	sdelay $0x2  }
0x1a2: {  	v8 =	vld.idx.msk [tilespmem:v8+s24+$0x0], $0xffff;
	_ =	sdelay $0x4  }
0x1a3: {  	[tilespmem:v9+s1+$0x0] =	vst.idx.add.f32.msk $0xffff, v8  }
0x1a4: {  	v8 =	vld.idx.msk [tilespmem:v5+s20+$0x0], $0xffff;
	_ =	sdelay $0x4  }
0x1a5: {  	v9 =	vld.idx.msk [tilespmem:v5+s21+$0x0], $0xffff;
	_ =	sdelay $0x2  }
0x1a6: {  	v8 =	vld.idx.msk [tilespmem:v8+s24+$0x0], $0xffff;
	_ =	sdelay $0x4  }
0x1a7: {  	[tilespmem:v9+s1+$0x0] =	vst.idx.add.f32.msk $0xffff, v8  }
0x1a8: {  	v8 =	vld.idx.msk [tilespmem:v6+s20+$0x0], $0xffff;
	_ =	sdelay $0x4  }
0x1a9: {  	v9 =	vld.idx.msk [tilespmem:v6+s21+$0x0], $0xffff;
	_ =	sdelay $0x2  }
0x1aa: {  	v8 =	vld.idx.msk [tilespmem:v8+s24+$0x0], $0xffff;
	_ =	sdelay $0x4  }
0x1ab: {  	[tilespmem:v9+s1+$0x0] =	vst.idx.add.f32.msk $0xffff, v8  }
0x1ac: {  	v8 =	vld.idx.msk [tilespmem:v7+s20+$0x0], $0xffff;
	_ =	sdelay $0x4  }
0x1ad: {  	v9 =	vld.idx.msk [tilespmem:v7+s21+$0x0], $0xffff;
	_ =	sdelay $0x2  }
0x1ae: {  	v8 =	vld.idx.msk [tilespmem:v8+s24+$0x0], $0xffff;
	_ =	sdelay $0x4  }
0x1af: {  	[tilespmem:v9+s1+$0x0] =	vst.idx.add.f32.msk $0xffff, v8  }
0x1b0: {  	_ =	swait.ge [sflag:s28], $0x5160  }
0x1b1: {  	[sflag:s28] =	ssyncset.done $0x0  }
0x1b2: {  	[sflag:s28] =	ssyncadd.s32 $0xFFFFAEA0  }
0x1b3: {  	_ =	swait.ge [sflag:s28], $0x5160  }
0x1b4: {  	[sflag:s28] =	ssyncset.done $0x0  }
0x1b5: {  	[sflag:s28] =	ssyncadd.s32 $0xFFFFAEA0  }
.LBB2_14:
0x1b6: {  	v8 =	vadd.s32 s1, v0;
	_ =	sdelay $0x4  }
0x1b7: {  	v9 =	vld.idx.msk [tilespmem:v8+s22+$0x0], $0xffff;
	_ =	sdelay $0x4  }
0x1b8: {  	v8 =	vld.idx.msk [tilespmem:v8+s23+$0x0], $0xffff;
	_ =	sdelay $0x2  }
0x1b9: {  	s29 =	sadd.s32 $0x1, s1;
	v9 =	vld.idx.msk [tilespmem:v9+s24+$0x0], $0xffff  }
0x1ba: {  	v10 =	vadd.s32 s29, v0;
	_ =	sdelay $0x3  }
0x1bb: {  	[tilespmem:v8+s3+$0x0] =	vst.idx.add.f32.msk $0xffff, v9  }
0x1bc: {  	v8 =	vld.idx.msk [tilespmem:v10+s22+$0x0], $0xffff;
	_ =	sdelay $0x4  }
0x1bd: {  	v9 =	vld.idx.msk [tilespmem:v10+s23+$0x0], $0xffff;
	_ =	sdelay $0x2  }
0x1be: {  	s29 =	sadd.s32 $0x2, s1;
	v8 =	vld.idx.msk [tilespmem:v8+s24+$0x0], $0xffff  }
0x1bf: {  	v58 =	vadd.s32 s29, v0;
	_ =	sdelay $0x3  }
0x1c0: {  	[tilespmem:v9+s3+$0x0] =	vst.idx.add.f32.msk $0xffff, v8  }
0x1c1: {  	v8 =	vld.idx.msk [tilespmem:v58+s22+$0x0], $0xffff;
	_ =	sdelay $0x4  }
0x1c2: {  	v9 =	vld.idx.msk [tilespmem:v58+s23+$0x0], $0xffff;
	_ =	sdelay $0x2  }
0x1c3: {  	s29 =	sadd.s32 $0x3, s1;
	v8 =	vld.idx.msk [tilespmem:v8+s24+$0x0], $0xffff  }
0x1c4: {  	v59 =	vadd.s32 s29, v0;
	_ =	sdelay $0x3  }
0x1c5: {  	[tilespmem:v9+s3+$0x0] =	vst.idx.add.f32.msk $0xffff, v8  }
0x1c6: {  	v8 =	vld.idx.msk [tilespmem:v59+s22+$0x0], $0xffff;
	_ =	sdelay $0x4  }
0x1c7: {  	v9 =	vld.idx.msk [tilespmem:v59+s23+$0x0], $0xffff;
	_ =	sdelay $0x2  }
0x1c8: {  	s29 =	sadd.s32 $0x4, s1;
	v8 =	vld.idx.msk [tilespmem:v8+s24+$0x0], $0xffff  }
0x1c9: {  	v60 =	vadd.s32 s29, v0;
	_ =	sdelay $0x3  }
0x1ca: {  	[tilespmem:v9+s3+$0x0] =	vst.idx.add.f32.msk $0xffff, v8  }
0x1cb: {  	v8 =	vld.idx.msk [tilespmem:v60+s22+$0x0], $0xffff;
	_ =	sdelay $0x4  }
0x1cc: {  	v9 =	vld.idx.msk [tilespmem:v60+s23+$0x0], $0xffff;
	_ =	sdelay $0x2  }
0x1cd: {  	s29 =	sadd.s32 $0x5, s1;
	v8 =	vld.idx.msk [tilespmem:v8+s24+$0x0], $0xffff  }
0x1ce: {  	v61 =	vadd.s32 s29, v0;
	_ =	sdelay $0x3  }
0x1cf: {  	[tilespmem:v9+s3+$0x0] =	vst.idx.add.f32.msk $0xffff, v8  }
0x1d0: {  	v8 =	vld.idx.msk [tilespmem:v61+s22+$0x0], $0xffff;
	_ =	sdelay $0x4  }
0x1d1: {  	v9 =	vld.idx.msk [tilespmem:v61+s23+$0x0], $0xffff;
	_ =	sdelay $0x2  }
0x1d2: {  	s29 =	sadd.s32 $0x6, s1;
	v8 =	vld.idx.msk [tilespmem:v8+s24+$0x0], $0xffff  }
0x1d3: {  	v62 =	vadd.s32 s29, v0;
	_ =	sdelay $0x3  }
0x1d4: {  	[tilespmem:v9+s3+$0x0] =	vst.idx.add.f32.msk $0xffff, v8  }
0x1d5: {  	v8 =	vld.idx.msk [tilespmem:v62+s22+$0x0], $0xffff;
	_ =	sdelay $0x4  }
0x1d6: {  	v9 =	vld.idx.msk [tilespmem:v62+s23+$0x0], $0xffff;
	_ =	sdelay $0x2  }
0x1d7: {  	s29 =	sadd.s32 $0x7, s1;
	v8 =	vld.idx.msk [tilespmem:v8+s24+$0x0], $0xffff  }
0x1d8: {  	v63 =	vadd.s32 s29, v0;
	_ =	sdelay $0x3  }
0x1d9: {  	[tilespmem:v9+s3+$0x0] =	vst.idx.add.f32.msk $0xffff, v8  }
0x1da: {  	v8 =	vld.idx.msk [tilespmem:v63+s22+$0x0], $0xffff;
	_ =	sdelay $0x4  }
0x1db: {  	v9 =	vld.idx.msk [tilespmem:v63+s23+$0x0], $0xffff;
	_ =	sdelay $0x2  }
0x1dc: {  	p0 =	slt.u32 s1, $0x508;
	v8 =	vld.idx.msk [tilespmem:v8+s24+$0x0], $0xffff  }
.Ltmp6:
0x1dd: {  	_ = 	snop;
	(pc) =	sbr.rel @p0 .LBB2_14-.Ltmp6, $2  }
0x1de: {  	_ =	sdelay $0x2  }
0x1df: {  	s1 =	sadd.s32 $0x8, s1;
	[tilespmem:v9+s3+$0x0] =	vst.idx.add.f32.msk $0xffff, v8  }
0x1e0: {  	_ =	sdelay $0x3  }
0x1e1: {  	v8 =	vld.idx.msk [tilespmem:v2+s22+$0x0], $0xffff;
	_ =	sdelay $0x4  }
0x1e2: {  	v9 =	vld.idx.msk [tilespmem:v2+s23+$0x0], $0xffff;
	_ =	sdelay $0x2  }
0x1e3: {  	v8 =	vld.idx.msk [tilespmem:v8+s24+$0x0], $0xffff;
	_ =	sdelay $0x4  }
0x1e4: {  	[tilespmem:v9+s3+$0x0] =	vst.idx.add.f32.msk $0xffff, v8  }
0x1e5: {  	v8 =	vld.idx.msk [tilespmem:v3+s22+$0x0], $0xffff;
	_ =	sdelay $0x4  }
0x1e6: {  	v9 =	vld.idx.msk [tilespmem:v3+s23+$0x0], $0xffff;
	_ =	sdelay $0x2  }
0x1e7: {  	v8 =	vld.idx.msk [tilespmem:v8+s24+$0x0], $0xffff;
	_ =	sdelay $0x4  }
0x1e8: {  	[tilespmem:v9+s3+$0x0] =	vst.idx.add.f32.msk $0xffff, v8  }
0x1e9: {  	v8 =	vld.idx.msk [tilespmem:v4+s22+$0x0], $0xffff;
	_ =	sdelay $0x4  }
0x1ea: {  	v9 =	vld.idx.msk [tilespmem:v4+s23+$0x0], $0xffff;
	_ =	sdelay $0x2  }
0x1eb: {  	v8 =	vld.idx.msk [tilespmem:v8+s24+$0x0], $0xffff;
	_ =	sdelay $0x4  }
0x1ec: {  	[tilespmem:v9+s3+$0x0] =	vst.idx.add.f32.msk $0xffff, v8  }
0x1ed: {  	v8 =	vld.idx.msk [tilespmem:v5+s22+$0x0], $0xffff;
	_ =	sdelay $0x4  }
0x1ee: {  	v9 =	vld.idx.msk [tilespmem:v5+s23+$0x0], $0xffff;
	_ =	sdelay $0x2  }
0x1ef: {  	v8 =	vld.idx.msk [tilespmem:v8+s24+$0x0], $0xffff;
	_ =	sdelay $0x4  }
0x1f0: {  	[tilespmem:v9+s3+$0x0] =	vst.idx.add.f32.msk $0xffff, v8  }
0x1f1: {  	v8 =	vld.idx.msk [tilespmem:v6+s22+$0x0], $0xffff;
	_ =	sdelay $0x4  }
0x1f2: {  	v9 =	vld.idx.msk [tilespmem:v6+s23+$0x0], $0xffff;
	_ =	sdelay $0x2  }
0x1f3: {  	v8 =	vld.idx.msk [tilespmem:v8+s24+$0x0], $0xffff;
	_ =	sdelay $0x4  }
0x1f4: {  	[tilespmem:v9+s3+$0x0] =	vst.idx.add.f32.msk $0xffff, v8  }
0x1f5: {  	v8 =	vld.idx.msk [tilespmem:v7+s22+$0x0], $0xffff;
	_ =	sdelay $0x4  }
0x1f6: {  	v9 =	vld.idx.msk [tilespmem:v7+s23+$0x0], $0xffff;
	_ =	sdelay $0x2  }
0x1f7: {  	v8 =	vld.idx.msk [tilespmem:v8+s24+$0x0], $0xffff;
	_ =	sdelay $0x4  }
0x1f8: {  	s1 =	simm.s32 $0x18680;
	[tilespmem:v9+s3+$0x0] =	vst.idx.add.f32.msk $0xffff, v8  }
0x1f9: {  	[tilespmem:s1], [sflag:$0x3] =	stream.linear.gather [hbm4b:s16+s3], $0x10, $0x38;
	[tilespmem:$0x18780] =	vst v63  }
0x1fa: {  	_ =	swait.ge [sflag:s25], $0x10  }
0x1fb: {  	[sflag:s25] =	ssyncset.done $0x0  }
0x1fc: {  	[sflag:s25] =	ssyncadd.s32 $0xFFFFFFF0  }
0x1fd: {  	[tilespmem:s30], [sflag:$0x3] =	stream.linear.gather [hbm4b:s17+s3], $0x10, $0x38;
	[tilespmem:$0x18780] =	vst v63  }
0x1fe: {  	_ =	swait.ge [sflag:s25], $0x10  }
0x1ff: {  	[sflag:s25] =	ssyncset.done $0x0  }
0x200: {  	[sflag:s25] =	ssyncadd.s32 $0xFFFFFFF0  }
0x201: {  	v8 =	vld [tilespmem:$0x18680];
	_ =	sdelay $0x4  }
0x202: {  	v63 =	vld [tilespmem:$0x18700];
	_ =	sdelay $0x2  }
0x203: {  	v8 =	vld.idx.msk [tilespmem:v8+s24+$0x0], $0xffff;
	_ =	sdelay $0x2  }
0x204: {  	s2 =	sadd.s32 $0x1, s2  }
0x205: {  	p0 =	sne.s32 s2, s19  }
.Ltmp7:
0x206: {  	[tilespmem:v63+s3+$0x0] =	vst.idx.add.f32.msk vm0, v8;
	(pc) =	sbr.rel @p0 .LBB2_1-.Ltmp7, $4  }
0x207: {  	[hbm4b:s18+s31] =	stream.strided.scatter [tilespmem:s3], [sflag:$0x3], $0x4000, s0, s31, $0x38;
	[tilespmem:$0x18780] =	vst v63  }
0x208: {  	_ =	swait.ge [sflag:s25], $0x4000  }
0x209: {  	[sflag:s25] =	ssyncset.done $0x0  }
0x20a: {  	[sflag:s25] =	ssyncadd.s32 $0xFFFFC000  }
0x20b: {  	_ =	sfence.sel $0x180000  }
0x20c: {  	[bflag:$0x0] =	sbarrier.arrive $0xFFFF  }
0x20d: {  	_ =	strace $0x90000047  }
0x20e: {  	s0 =	stileid.u32;
	[bflag:$0x2] =	sbarrier.arrive $0xFFFF  }
0x20f: {  	p0 =	sne.s32 s0, $0x0;
	s0 =	rddreg [dreg:$0x4]  }
0x210: {  	s0 =	sadd.s32 @!p0 $0x100000, s0  }
0x211: {  	[sflag:s0] =	ssyncadd.tile.s32 @!p0 $0x1;
	_ =	shalt  }
.Lfunc_end2:
_tile_overlayer_lowered:
.L_overlay_start_2:
0x212: {  	(tag) =	ssettag $0x2  }
0x213: {  	s0 =	rddreg [dreg:$0x0];
	s2 =	stileid.u32  }
0x214: {  	s1 =	rddreg [dreg:$0x1];
	p0 =	sne.s32 s2, $0x0  }
0x215: {  	s3 =	rddreg [dreg:$0x2];
	[bflag:$0x3] =	sbarrier.arrive $0xFFFF;
	s2 =	simm.s32 @!p0 $0x1C03  }
0x216: {  	[timem:s3], [sflag:s2] =	dma.local @!p0 [hbm:s0], s1  }
0x217: {  	s0 =	simm.s32 @!p0 $0x3  }
0x218: {  	_ =	swait.ge @!p0 [sflag:s0], s1  }
0x219: {  	s1 =	ssub.s32 @!p0 $0x0, s1;
	[sflag:s0] =	ssyncset.done @!p0 $0x0  }
0x21a: {  	[sflag:s0] =	ssyncadd.s32 @!p0 s1  }
0x21b: {  	[bflag:$0x3] =	sbarrier.arrive $0xFFFF  }
0x21c: {  	_ =	shalt  }

</sc_bundles>
